<compile_context>
chip_gen: v7x
topology: tpu7x:2x2x1
jax: 0.10.2.dev20260603
libtpu: 0.0.44.dev20260713+nightly
codegen_flags: <defaults>
</compile_context>

<pallas_src>
import jax
import jax.numpy as jnp
from jax import lax
from jax.experimental import pallas as pl
from jax.experimental.pallas import tpu as pltpu
from jax.experimental.pallas import tpu_sc as plsc

B = 4096
L = 50
V = 100000
D = 128
H = 256
C = 2

NC = 2
NS = 16
NW = NC * NS
BAGS_PER_W = B // NW
CHUNK_BAGS = 2
CHUNK_IDX = CHUNK_BAGS * L
CHUNKS_PER_W = BAGS_PER_W // CHUNK_BAGS
G = D // 16


IDX_PER_W = BAGS_PER_W * L
NBUF = 4
GATHER_ROWS = CHUNK_IDX + 4


def _sc_bag_sums_body(table_hbm, tags_hbm, out_hbm, idx_v, rows0, rows1,
                      rows2, rows3, out_v, sem0, sem1, sem2, sem3, osem):
    cid = lax.axis_index("c")
    sid = lax.axis_index("s")
    wid = sid * NC + cid
    bufs = (rows0, rows1, rows2, rows3)
    sems = (sem0, sem1, sem2, sem3)

    pltpu.sync_copy(tags_hbm.at[pl.ds(wid * IDX_PER_W, IDX_PER_W)], idx_v)

    def idx_slice(ci, parity):
        if parity == 0:
            off = pl.multiple_of(ci * CHUNK_IDX, 8)
            return idx_v.at[pl.ds(off, CHUNK_IDX)]
        off = pl.multiple_of(ci * CHUNK_IDX - 4, 8)
        return idx_v.at[pl.ds(off, GATHER_ROWS)]

    for b in range(NBUF):
        dst0 = bufs[b] if b % 2 else bufs[b].at[pl.ds(0, CHUNK_IDX)]
        pltpu.async_copy(table_hbm.at[idx_slice(b, b % 2)], dst0, sems[b])

    def outer(cc, carry):
        for b in range(NBUF):
            ci = NBUF * cc + b
            dst = bufs[b] if b % 2 else bufs[b].at[pl.ds(0, CHUNK_IDX)]
            pltpu.make_async_copy(
                table_hbm.at[idx_slice(ci, b % 2)], dst, sems[b]).wait()
            for b2 in range(CHUNK_BAGS):
                base = 4 * (b % 2) + b2 * L
                zeros = tuple(jnp.zeros((16,), jnp.float32) for _ in range(G))

                @plsc.parallel_loop(base, base + L, unroll=5, carry=zeros)
                def accum(r, acc, _b=b):
                    return tuple(
                        acc[g] + bufs[_b][r, pl.ds(g * 16, 16)]
                        for g in range(G)
                    )

                acc = accum
                row = CHUNK_BAGS * ci + b2
                for g in range(G):
                    out_v[row, pl.ds(g * 16, 16)] = acc[g]
            orow = CHUNK_BAGS * ci
            pltpu.async_copy(
                out_v.at[pl.ds(orow, CHUNK_BAGS)],
                out_hbm.at[pl.ds(wid * BAGS_PER_W + orow, CHUNK_BAGS)], osem)
            nci = ci + NBUF

            @pl.when(nci < CHUNKS_PER_W)
            def _():
                pltpu.async_copy(
                    table_hbm.at[idx_slice(nci, b % 2)], dst, sems[b])
        return carry

    lax.fori_loop(0, CHUNKS_PER_W // NBUF, outer, 0)
    pltpu.make_async_copy(
        out_hbm.at[pl.ds(wid * BAGS_PER_W, BAGS_PER_W)], out_v, osem).wait()


@jax.jit
def _sc_bag_sums(emb_weight, tags_vec):
    mesh = plsc.VectorSubcoreMesh(core_axis_name="c", subcore_axis_name="s")
    return pl.kernel(
        _sc_bag_sums_body,
        out_type=jax.ShapeDtypeStruct((B, D), jnp.float32),
        mesh=mesh,
        scratch_types=(
            [pltpu.VMEM((IDX_PER_W,), jnp.int32)]
            + [pltpu.VMEM((GATHER_ROWS, D), jnp.float32)] * NBUF
            + [pltpu.VMEM((BAGS_PER_W, D), jnp.float32)]
            + [pltpu.SemaphoreType.DMA] * (NBUF + 1)
        ),
    )(emb_weight, tags_vec)


ROWS_BLK = 2048


def _mlp_body(bags_ref, emos_ref, hw_ref, b1_ref, wo_ref, bo_ref, out_ref):
    feats = jnp.maximum(bags_ref[...] * (1.0 / L), 0.0)
    hw = hw_ref[...]
    h = jnp.dot(feats, hw[:, :D].T, preferred_element_type=jnp.float32)
    h = h + jnp.dot(emos_ref[...], hw[:, D:].T,
                    preferred_element_type=jnp.float32)
    h = jnp.maximum(h + b1_ref[...], 0.0)
    out_ref[...] = (
        jnp.dot(h, wo_ref[...].T, preferred_element_type=jnp.float32)
        + bo_ref[...]
    )


@jax.jit
def _mlp(bag_sums, emos, hid_w, b1, wo, bo):
    nblk = B // ROWS_BLK
    return pl.pallas_call(
        _mlp_body,
        out_shape=jax.ShapeDtypeStruct((B, C), jnp.float32),
        grid=(nblk,),
        in_specs=[
            pl.BlockSpec((ROWS_BLK, D), lambda i: (i, 0)),
            pl.BlockSpec((ROWS_BLK, 2), lambda i: (i, 0)),
            pl.BlockSpec((H, D + 2), lambda i: (0, 0)),
            pl.BlockSpec((1, H), lambda i: (0, 0)),
            pl.BlockSpec((C, H), lambda i: (0, 0)),
            pl.BlockSpec((1, C), lambda i: (0, 0)),
        ],
        out_specs=pl.BlockSpec((ROWS_BLK, C), lambda i: (i, 0)),
    )(bag_sums, emos, hid_w, b1, wo, bo)


def kernel(emos, tags_vec, offsets, emb_weight, hid_w, hid_b, out_w, out_b):
    del offsets
    bag_sums = _sc_bag_sums(emb_weight, tags_vec)
    return _mlp(bag_sums, emos, hid_w, hid_b.reshape(1, H), out_w,
                out_b.reshape(1, C))

# --- scband reference (transcript-rebuilt; emitter-appended) ---
"""Pipeline reference for scband-pldclassifier-10651518894796 (READ-ONLY COPY).

The authoritative reference and input builder live on the scoring server;
editing this copy changes nothing except your own understanding.
"""

import jax, jax.numpy as jnp
import numpy as np

B = 4096
L = 50
N = B * L
V = 100000
D = 128
H = 256
C = 2


def setup_inputs(seed: int = 0) -> dict:
    key = jax.random.key(seed)
    k1, k2, k3, k4, k5, k6, k7 = jax.random.split(key, 7)
    emos = jax.random.normal(k1, (B, 2), dtype=jnp.float32)
    tags_vec = jax.random.randint(k2, (N,), 0, V, dtype=jnp.int32)
    offsets = (jnp.arange(B, dtype=jnp.int32) * L)
    emb_weight = jax.random.normal(k3, (V, D), dtype=jnp.float32) * 0.02
    hid_w = jax.random.normal(k4, (H, D + 2), dtype=jnp.float32) * (1.0 / np.sqrt(D + 2))
    hid_b = jax.random.normal(k5, (H,), dtype=jnp.float32) * 0.01
    out_w = jax.random.normal(k6, (C, H), dtype=jnp.float32) * (1.0 / np.sqrt(H))
    out_b = jax.random.normal(k7, (C,), dtype=jnp.float32) * 0.01
    return {"emos": emos, "tags_vec": tags_vec, "offsets": offsets,
            "emb_weight": emb_weight, "hid_w": hid_w, "hid_b": hid_b,
            "out_w": out_w, "out_b": out_b}


def reference(emos, tags_vec, offsets, emb_weight, hid_w, hid_b, out_w, out_b):
    n = tags_vec.shape[0]
    b = offsets.shape[0]
    # EmbeddingBag (mode='mean') with offsets: bag i covers [offsets[i], offsets[i+1])
    seg = jnp.searchsorted(offsets, jnp.arange(n, dtype=offsets.dtype), side='right') - 1
    gathered = jnp.take(emb_weight, tags_vec, axis=0)
    sums = jax.ops.segment_sum(gathered, seg, num_segments=b)
    counts = jax.ops.segment_sum(jnp.ones((n,), dtype=jnp.float32), seg, num_segments=b)
    bags = sums / jnp.maximum(counts, 1.0)[:, None]
    tags_feats = jax.nn.relu(bags)
    concat_feats = jnp.concatenate((tags_feats, emos), axis=1)
    hidden = jax.nn.relu(concat_feats @ hid_w.T + hid_b)
    return hidden @ out_w.T + out_b

if __name__ == "__main__":
    import jax
    _d = setup_inputs()
    print(jax.jit(kernel)(*tuple(_d.values())))

</pallas_src>

<mosaic_0001>
#map = affine_map<(d0, d1) -> (0, 0)>
#map1 = affine_map<(d0, d1) -> (0)>
module attributes {stable_mosaic.version = 14 : i64} {
  func.func @_sc_bag_sums_body(%arg0: i32, %arg1: i32, %arg2: memref<100000x128xf32, #tpu.memory_space<hbm>>, %arg3: memref<204800xi32, #tpu.memory_space<hbm>>, %arg4: memref<4096x128xf32, #tpu.memory_space<hbm>>, %arg5: memref<6400xi32, #tpu.memory_space<vmem>>, %arg6: memref<104x128xf32, #tpu.memory_space<vmem>>, %arg7: memref<104x128xf32, #tpu.memory_space<vmem>>, %arg8: memref<104x128xf32, #tpu.memory_space<vmem>>, %arg9: memref<104x128xf32, #tpu.memory_space<vmem>>, %arg10: memref<128x128xf32, #tpu.memory_space<vmem>>, %arg11: memref<!tpu.dma_semaphore, #tpu.memory_space<semaphore_mem>>, %arg12: memref<!tpu.dma_semaphore, #tpu.memory_space<semaphore_mem>>, %arg13: memref<!tpu.dma_semaphore, #tpu.memory_space<semaphore_mem>>, %arg14: memref<!tpu.dma_semaphore, #tpu.memory_space<semaphore_mem>>, %arg15: memref<!tpu.dma_semaphore, #tpu.memory_space<semaphore_mem>>) attributes {dimension_semantics = [#tpu.dimension_semantics<core_parallel>, #tpu.dimension_semantics<subcore_parallel>], iteration_bounds = array<i64: 2, 16>, scalar_prefetch = 0 : i64, scratch_operands = 11 : i64, tpu.core_type = #tpu.core_type<sc_vector_subcore>, window_params = [{transform_indices = #map}, {transform_indices = #map1}, {transform_indices = #map}]} {
    %mul3A = arith.constant 2 : i32
    %mul3A_0 = arith.muli %arg1, %mul3A : i32
    %add3A = arith.addi %mul3A_0, %arg0 : i32
    %mul3A_1 = arith.constant 6400 : i32
    %mul3A_2 = arith.muli %add3A, %mul3A_1 : i32
    "tpu.region"() ({
      %run_scoped3A = tpu.sem_alloc : memref<!tpu.dma_semaphore, #tpu.memory_space<semaphore_mem>>
      %dma_start3A_41 = tpu.memref_slice %arg3[%mul3A_2] : memref<204800xi32, #tpu.memory_space<hbm>> -> memref<6400xi32, #tpu.memory_space<hbm>>
      %dma_start3A_42 = tpu.memref_slice %arg3[%mul3A_2] : memref<204800xi32, #tpu.memory_space<hbm>> -> memref<6400xi32, #tpu.memory_space<hbm>>
      tpu.enqueue_dma source(%dma_start3A_42 : memref<6400xi32, #tpu.memory_space<hbm>>) target(%arg5 : memref<6400xi32, #tpu.memory_space<vmem>>) target_semaphore(%run_scoped3A : memref<!tpu.dma_semaphore, #tpu.memory_space<semaphore_mem>>)
      %dma_wait3A_43 = tpu.memref_slice %arg3[%mul3A_2] : memref<204800xi32, #tpu.memory_space<hbm>> -> memref<6400xi32, #tpu.memory_space<hbm>>
      %dma_wait3A_44 = tpu.memref_slice %arg3[%mul3A_2] : memref<204800xi32, #tpu.memory_space<hbm>> -> memref<6400xi32, #tpu.memory_space<hbm>>
      tpu.wait_dma2 semaphore(%run_scoped3A : memref<!tpu.dma_semaphore, #tpu.memory_space<semaphore_mem>>) src(%dma_wait3A_44 : memref<6400xi32, #tpu.memory_space<hbm>>) dst(%arg5 : memref<6400xi32, #tpu.memory_space<vmem>>)
      tpu.yield
    }) : () -> ()
    %multiple_of3A = arith.constant 0 : i32
    %multiple_of3A_3 = tpu.assume_multiple %multiple_of3A, 8 : i32
    %dma_start3A = arith.constant 0 : i32
    %dma_start3A_4 = arith.constant 0 : i32
    %dma_start3A_5 = tpu.memref_slice %arg6[%dma_start3A, %dma_start3A_4] : memref<104x128xf32, #tpu.memory_space<vmem>> -> memref<100x128xf32, #tpu.memory_space<vmem>>
    %dma_start3A_6 = tpu.memref_slice %arg5[%multiple_of3A_3] : memref<6400xi32, #tpu.memory_space<vmem>> -> memref<100xi32, #tpu.memory_space<vmem>>
    %dma_start3A_7 = arith.constant 0 : i32
    %dma_start3A_8 = arith.constant 0 : i32
    %dma_start3A_9 = tpu.memref_slice %arg2[%dma_start3A_7, %dma_start3A_8] : memref<100000x128xf32, #tpu.memory_space<hbm>> -> memref<100000x128xf32, #tpu.memory_space<hbm>>
    tpu.enqueue_indirect_dma source(%dma_start3A_9 : memref<100000x128xf32, #tpu.memory_space<hbm>>) target(%dma_start3A_5 : memref<100x128xf32, #tpu.memory_space<vmem>>) offsets(%dma_start3A_6 : memref<100xi32, #tpu.memory_space<vmem>>) semaphore(%arg11 : memref<!tpu.dma_semaphore, #tpu.memory_space<semaphore_mem>>)
    %multiple_of3A_10 = arith.constant 96 : i32
    %multiple_of3A_11 = tpu.assume_multiple %multiple_of3A_10, 8 : i32
    %dma_start3A_12 = tpu.memref_slice %arg5[%multiple_of3A_11] : memref<6400xi32, #tpu.memory_space<vmem>> -> memref<104xi32, #tpu.memory_space<vmem>>
    %dma_start3A_13 = arith.constant 0 : i32
    %dma_start3A_14 = arith.constant 0 : i32
    %dma_start3A_15 = tpu.memref_slice %arg2[%dma_start3A_13, %dma_start3A_14] : memref<100000x128xf32, #tpu.memory_space<hbm>> -> memref<100000x128xf32, #tpu.memory_space<hbm>>
    tpu.enqueue_indirect_dma source(%dma_start3A_15 : memref<100000x128xf32, #tpu.memory_space<hbm>>) target(%arg7 : memref<104x128xf32, #tpu.memory_space<vmem>>) offsets(%dma_start3A_12 : memref<104xi32, #tpu.memory_space<vmem>>) semaphore(%arg12 : memref<!tpu.dma_semaphore, #tpu.memory_space<semaphore_mem>>)
    %multiple_of3A_16 = arith.constant 200 : i32
    %multiple_of3A_17 = tpu.assume_multiple %multiple_of3A_16, 8 : i32
    %dma_start3A_18 = arith.constant 0 : i32
    %dma_start3A_19 = arith.constant 0 : i32
    %dma_start3A_20 = tpu.memref_slice %arg8[%dma_start3A_18, %dma_start3A_19] : memref<104x128xf32, #tpu.memory_space<vmem>> -> memref<100x128xf32, #tpu.memory_space<vmem>>
    %dma_start3A_21 = tpu.memref_slice %arg5[%multiple_of3A_17] : memref<6400xi32, #tpu.memory_space<vmem>> -> memref<100xi32, #tpu.memory_space<vmem>>
    %dma_start3A_22 = arith.constant 0 : i32
    %dma_start3A_23 = arith.constant 0 : i32
    %dma_start3A_24 = tpu.memref_slice %arg2[%dma_start3A_22, %dma_start3A_23] : memref<100000x128xf32, #tpu.memory_space<hbm>> -> memref<100000x128xf32, #tpu.memory_space<hbm>>
    tpu.enqueue_indirect_dma source(%dma_start3A_24 : memref<100000x128xf32, #tpu.memory_space<hbm>>) target(%dma_start3A_20 : memref<100x128xf32, #tpu.memory_space<vmem>>) offsets(%dma_start3A_21 : memref<100xi32, #tpu.memory_space<vmem>>) semaphore(%arg13 : memref<!tpu.dma_semaphore, #tpu.memory_space<semaphore_mem>>)
    %multiple_of3A_25 = arith.constant 296 : i32
    %multiple_of3A_26 = tpu.assume_multiple %multiple_of3A_25, 8 : i32
    %dma_start3A_27 = tpu.memref_slice %arg5[%multiple_of3A_26] : memref<6400xi32, #tpu.memory_space<vmem>> -> memref<104xi32, #tpu.memory_space<vmem>>
    %dma_start3A_28 = arith.constant 0 : i32
    %dma_start3A_29 = arith.constant 0 : i32
    %dma_start3A_30 = tpu.memref_slice %arg2[%dma_start3A_28, %dma_start3A_29] : memref<100000x128xf32, #tpu.memory_space<hbm>> -> memref<100000x128xf32, #tpu.memory_space<hbm>>
    tpu.enqueue_indirect_dma source(%dma_start3A_30 : memref<100000x128xf32, #tpu.memory_space<hbm>>) target(%arg9 : memref<104x128xf32, #tpu.memory_space<vmem>>) offsets(%dma_start3A_27 : memref<104xi32, #tpu.memory_space<vmem>>) semaphore(%arg14 : memref<!tpu.dma_semaphore, #tpu.memory_space<semaphore_mem>>)
    %scan3A = arith.constant 0 : i32
    %scan3A_31 = arith.constant 0 : i32
    %scan3A_32 = arith.constant 16 : i32
    %scan3A_33 = arith.addi %scan3A_31, %scan3A_32 : i32
    %scan3A_34 = arith.constant 1 : i32
    scf.for %scan3A_41 = %scan3A_31 to %scan3A_33 step %scan3A_34  : i32 {
      %mul3A_42 = arith.constant 4 : i32
      %mul3A_43 = arith.muli %mul3A_42, %scan3A_41 : i32
      %add3A_44 = arith.constant 0 : i32
      %add3A_45 = arith.addi %mul3A_43, %add3A_44 : i32
      %mul3A_46 = arith.constant 100 : i32
      %mul3A_47 = arith.muli %add3A_45, %mul3A_46 : i32
      %multiple_of3A_48 = tpu.assume_multiple %mul3A_47, 8 : i32
      %dma_wait3A_49 = arith.constant 0 : i32
      %dma_wait3A_50 = arith.constant 0 : i32
      %dma_wait3A_51 = tpu.memref_slice %arg6[%dma_wait3A_49, %dma_wait3A_50] : memref<104x128xf32, #tpu.memory_space<vmem>> -> memref<100x128xf32, #tpu.memory_space<vmem>>
      %dma_wait3A_52 = tpu.memref_slice %arg5[%multiple_of3A_48] : memref<6400xi32, #tpu.memory_space<vmem>> -> memref<100xi32, #tpu.memory_space<vmem>>
      %dma_wait3A_53 = arith.constant 0 : i32
      %dma_wait3A_54 = arith.constant 0 : i32
      %dma_wait3A_55 = tpu.memref_slice %arg2[%dma_wait3A_53, %dma_wait3A_54] : memref<100000x128xf32, #tpu.memory_space<hbm>> -> memref<100000x128xf32, #tpu.memory_space<hbm>>
      tpu.wait_indirect_dma semaphore(%arg11 : memref<!tpu.dma_semaphore, #tpu.memory_space<semaphore_mem>>) src(%dma_wait3A_55 : memref<100000x128xf32, #tpu.memory_space<hbm>>) dst(%dma_wait3A_51 : memref<100x128xf32, #tpu.memory_space<vmem>>)
      %broadcast_in_dim3A = arith.constant 0.000000e+00 : f32
      %broadcast_in_dim3A_56 = vector.broadcast %broadcast_in_dim3A : f32 to vector<16xf32>
      %broadcast_in_dim3A_57 = arith.constant 0.000000e+00 : f32
      %broadcast_in_dim3A_58 = vector.broadcast %broadcast_in_dim3A_57 : f32 to vector<16xf32>
      %broadcast_in_dim3A_59 = arith.constant 0.000000e+00 : f32
      %broadcast_in_dim3A_60 = vector.broadcast %broadcast_in_dim3A_59 : f32 to vector<16xf32>
      %broadcast_in_dim3A_61 = arith.constant 0.000000e+00 : f32
      %broadcast_in_dim3A_62 = vector.broadcast %broadcast_in_dim3A_61 : f32 to vector<16xf32>
      %broadcast_in_dim3A_63 = arith.constant 0.000000e+00 : f32
      %broadcast_in_dim3A_64 = vector.broadcast %broadcast_in_dim3A_63 : f32 to vector<16xf32>
      %broadcast_in_dim3A_65 = arith.constant 0.000000e+00 : f32
      %broadcast_in_dim3A_66 = vector.broadcast %broadcast_in_dim3A_65 : f32 to vector<16xf32>
      %broadcast_in_dim3A_67 = arith.constant 0.000000e+00 : f32
      %broadcast_in_dim3A_68 = vector.broadcast %broadcast_in_dim3A_67 : f32 to vector<16xf32>
      %broadcast_in_dim3A_69 = arith.constant 0.000000e+00 : f32
      %broadcast_in_dim3A_70 = vector.broadcast %broadcast_in_dim3A_69 : f32 to vector<16xf32>
      %parallel_loop3A = arith.constant 0 : i32
      %parallel_loop3A_71 = arith.constant 50 : i32
      %parallel_loop3A_72 = arith.constant 1 : i32
      %parallel_loop3A_73:8 = scf.for %parallel_loop3A_681 = %parallel_loop3A to %parallel_loop3A_71 step %parallel_loop3A_72 iter_args(%parallel_loop3A_682 = %broadcast_in_dim3A_56, %parallel_loop3A_683 = %broadcast_in_dim3A_58, %parallel_loop3A_684 = %broadcast_in_dim3A_60, %parallel_loop3A_685 = %broadcast_in_dim3A_62, %parallel_loop3A_686 = %broadcast_in_dim3A_64, %parallel_loop3A_687 = %broadcast_in_dim3A_66, %parallel_loop3A_688 = %broadcast_in_dim3A_68, %parallel_loop3A_689 = %broadcast_in_dim3A_70) -> (vector<16xf32>, vector<16xf32>, vector<16xf32>, vector<16xf32>, vector<16xf32>, vector<16xf32>, vector<16xf32>, vector<16xf32>)  : i32 {
        %parallel_loop3A_690 = arith.index_cast %parallel_loop3A_681 : i32 to index
        %parallel_loop3A_691 = arith.constant 0 : index
        %parallel_loop3A_692 = tpu.vector_load %arg6[%parallel_loop3A_690, %parallel_loop3A_691] {strides = array<i32>} : memref<104x128xf32, #tpu.memory_space<vmem>>, vector<1x16xf32>,
        %parallel_loop3A_693 = vector.shape_cast %parallel_loop3A_692 : vector<1x16xf32> to vector<16xf32>
        %parallel_loop3A_694 = arith.addf %parallel_loop3A_682, %parallel_loop3A_693 : vector<16xf32>
        %parallel_loop3A_695 = arith.index_cast %parallel_loop3A_681 : i32 to index
        %parallel_loop3A_696 = arith.constant 16 : index
        %parallel_loop3A_697 = tpu.vector_load %arg6[%parallel_loop3A_695, %parallel_loop3A_696] {strides = array<i32>} : memref<104x128xf32, #tpu.memory_space<vmem>>, vector<1x16xf32>,
        %parallel_loop3A_698 = vector.shape_cast %parallel_loop3A_697 : vector<1x16xf32> to vector<16xf32>
        %parallel_loop3A_699 = arith.addf %parallel_loop3A_683, %parallel_loop3A_698 : vector<16xf32>
        %parallel_loop3A_700 = arith.index_cast %parallel_loop3A_681 : i32 to index
        %parallel_loop3A_701 = arith.constant 32 : index
        %parallel_loop3A_702 = tpu.vector_load %arg6[%parallel_loop3A_700, %parallel_loop3A_701] {strides = array<i32>} : memref<104x128xf32, #tpu.memory_space<vmem>>, vector<1x16xf32>,
        %parallel_loop3A_703 = vector.shape_cast %parallel_loop3A_702 : vector<1x16xf32> to vector<16xf32>
        %parallel_loop3A_704 = arith.addf %parallel_loop3A_684, %parallel_loop3A_703 : vector<16xf32>
        %parallel_loop3A_705 = arith.index_cast %parallel_loop3A_681 : i32 to index
        %parallel_loop3A_706 = arith.constant 48 : index
        %parallel_loop3A_707 = tpu.vector_load %arg6[%parallel_loop3A_705, %parallel_loop3A_706] {strides = array<i32>} : memref<104x128xf32, #tpu.memory_space<vmem>>, vector<1x16xf32>,
        %parallel_loop3A_708 = vector.shape_cast %parallel_loop3A_707 : vector<1x16xf32> to vector<16xf32>
        %parallel_loop3A_709 = arith.addf %parallel_loop3A_685, %parallel_loop3A_708 : vector<16xf32>
        %parallel_loop3A_710 = arith.index_cast %parallel_loop3A_681 : i32 to index
        %parallel_loop3A_711 = arith.constant 64 : index
        %parallel_loop3A_712 = tpu.vector_load %arg6[%parallel_loop3A_710, %parallel_loop3A_711] {strides = array<i32>} : memref<104x128xf32, #tpu.memory_space<vmem>>, vector<1x16xf32>,
        %parallel_loop3A_713 = vector.shape_cast %parallel_loop3A_712 : vector<1x16xf32> to vector<16xf32>
        %parallel_loop3A_714 = arith.addf %parallel_loop3A_686, %parallel_loop3A_713 : vector<16xf32>
        %parallel_loop3A_715 = arith.index_cast %parallel_loop3A_681 : i32 to index
        %parallel_loop3A_716 = arith.constant 80 : index
        %parallel_loop3A_717 = tpu.vector_load %arg6[%parallel_loop3A_715, %parallel_loop3A_716] {strides = array<i32>} : memref<104x128xf32, #tpu.memory_space<vmem>>, vector<1x16xf32>,
        %parallel_loop3A_718 = vector.shape_cast %parallel_loop3A_717 : vector<1x16xf32> to vector<16xf32>
        %parallel_loop3A_719 = arith.addf %parallel_loop3A_687, %parallel_loop3A_718 : vector<16xf32>
        %parallel_loop3A_720 = arith.index_cast %parallel_loop3A_681 : i32 to index
        %parallel_loop3A_721 = arith.constant 96 : index
        %parallel_loop3A_722 = tpu.vector_load %arg6[%parallel_loop3A_720, %parallel_loop3A_721] {strides = array<i32>} : memref<104x128xf32, #tpu.memory_space<vmem>>, vector<1x16xf32>,
        %parallel_loop3A_723 = vector.shape_cast %parallel_loop3A_722 : vector<1x16xf32> to vector<16xf32>
        %parallel_loop3A_724 = arith.addf %parallel_loop3A_688, %parallel_loop3A_723 : vector<16xf32>
        %parallel_loop3A_725 = arith.index_cast %parallel_loop3A_681 : i32 to index
        %parallel_loop3A_726 = arith.constant 112 : index
        %parallel_loop3A_727 = tpu.vector_load %arg6[%parallel_loop3A_725, %parallel_loop3A_726] {strides = array<i32>} : memref<104x128xf32, #tpu.memory_space<vmem>>, vector<1x16xf32>,
        %parallel_loop3A_728 = vector.shape_cast %parallel_loop3A_727 : vector<1x16xf32> to vector<16xf32>
        %parallel_loop3A_729 = arith.addf %parallel_loop3A_689, %parallel_loop3A_728 : vector<16xf32>
        scf.yield %parallel_loop3A_694, %parallel_loop3A_699, %parallel_loop3A_704, %parallel_loop3A_709, %parallel_loop3A_714, %parallel_loop3A_719, %parallel_loop3A_724, %parallel_loop3A_729 : vector<16xf32>, vector<16xf32>, vector<16xf32>, vector<16xf32>, vector<16xf32>, vector<16xf32>, vector<16xf32>, vector<16xf32>
      } {sc.loop_unroll_factor = 5 : i64, sc.parallel_access}
      %mul3A_74 = arith.constant 2 : i32
      %mul3A_75 = arith.muli %mul3A_74, %add3A_45 : i32
      %add3A_76 = arith.constant 0 : i32
      %add3A_77 = arith.addi %mul3A_75, %add3A_76 : i32
      %swap3A = arith.index_cast %add3A_77 : i32 to index
      %swap3A_78 = arith.constant 0 : index
      %swap3A_79 = tpu.vector_load %arg10[%swap3A, %swap3A_78] {strides = array<i32>} : memref<128x128xf32, #tpu.memory_space<vmem>>, vector<1x16xf32>,
      %swap3A_80 = vector.shape_cast %swap3A_79 : vector<1x16xf32> to vector<16xf32>
      %swap3A_81 = vector.shape_cast %parallel_loop3A_73#0 : vector<16xf32> to vector<1x16xf32>
      tpu.vector_store %arg10[%swap3A, %swap3A_78], %swap3A_81 {strides = array<i32>} : memref<128x128xf32, #tpu.memory_space<vmem>>, vector<1x16xf32>,
      %swap3A_82 = arith.index_cast %add3A_77 : i32 to index
      %swap3A_83 = arith.constant 16 : index
      %swap3A_84 = tpu.vector_load %arg10[%swap3A_82, %swap3A_83] {strides = array<i32>} : memref<128x128xf32, #tpu.memory_space<vmem>>, vector<1x16xf32>,
      %swap3A_85 = vector.shape_cast %swap3A_84 : vector<1x16xf32> to vector<16xf32>
      %swap3A_86 = vector.shape_cast %parallel_loop3A_73#1 : vector<16xf32> to vector<1x16xf32>
      tpu.vector_store %arg10[%swap3A_82, %swap3A_83], %swap3A_86 {strides = array<i32>} : memref<128x128xf32, #tpu.memory_space<vmem>>, vector<1x16xf32>,
      %swap3A_87 = arith.index_cast %add3A_77 : i32 to index
      %swap3A_88 = arith.constant 32 : index
      %swap3A_89 = tpu.vector_load %arg10[%swap3A_87, %swap3A_88] {strides = array<i32>} : memref<128x128xf32, #tpu.memory_space<vmem>>, vector<1x16xf32>,
      %swap3A_90 = vector.shape_cast %swap3A_89 : vector<1x16xf32> to vector<16xf32>
      %swap3A_91 = vector.shape_cast %parallel_loop3A_73#2 : vector<16xf32> to vector<1x16xf32>
      tpu.vector_store %arg10[%swap3A_87, %swap3A_88], %swap3A_91 {strides = array<i32>} : memref<128x128xf32, #tpu.memory_space<vmem>>, vector<1x16xf32>,
      %swap3A_92 = arith.index_cast %add3A_77 : i32 to index
      %swap3A_93 = arith.constant 48 : index
      %swap3A_94 = tpu.vector_load %arg10[%swap3A_92, %swap3A_93] {strides = array<i32>} : memref<128x128xf32, #tpu.memory_space<vmem>>, vector<1x16xf32>,
      %swap3A_95 = vector.shape_cast %swap3A_94 : vector<1x16xf32> to vector<16xf32>
      %swap3A_96 = vector.shape_cast %parallel_loop3A_73#3 : vector<16xf32> to vector<1x16xf32>
      tpu.vector_store %arg10[%swap3A_92, %swap3A_93], %swap3A_96 {strides = array<i32>} : memref<128x128xf32, #tpu.memory_space<vmem>>, vector<1x16xf32>,
      %swap3A_97 = arith.index_cast %add3A_77 : i32 to index
      %swap3A_98 = arith.constant 64 : index
      %swap3A_99 = tpu.vector_load %arg10[%swap3A_97, %swap3A_98] {strides = array<i32>} : memref<128x128xf32, #tpu.memory_space<vmem>>, vector<1x16xf32>,
      %swap3A_100 = vector.shape_cast %swap3A_99 : vector<1x16xf32> to vector<16xf32>
      %swap3A_101 = vector.shape_cast %parallel_loop3A_73#4 : vector<16xf32> to vector<1x16xf32>
      tpu.vector_store %arg10[%swap3A_97, %swap3A_98], %swap3A_101 {strides = array<i32>} : memref<128x128xf32, #tpu.memory_space<vmem>>, vector<1x16xf32>,
      %swap3A_102 = arith.index_cast %add3A_77 : i32 to index
      %swap3A_103 = arith.constant 80 : index
      %swap3A_104 = tpu.vector_load %arg10[%swap3A_102, %swap3A_103] {strides = array<i32>} : memref<128x128xf32, #tpu.memory_space<vmem>>, vector<1x16xf32>,
      %swap3A_105 = vector.shape_cast %swap3A_104 : vector<1x16xf32> to vector<16xf32>
      %swap3A_106 = vector.shape_cast %parallel_loop3A_73#5 : vector<16xf32> to vector<1x16xf32>
      tpu.vector_store %arg10[%swap3A_102, %swap3A_103], %swap3A_106 {strides = array<i32>} : memref<128x128xf32, #tpu.memory_space<vmem>>, vector<1x16xf32>,
      %swap3A_107 = arith.index_cast %add3A_77 : i32 to index
      %swap3A_108 = arith.constant 96 : index
      %swap3A_109 = tpu.vector_load %arg10[%swap3A_107, %swap3A_108] {strides = array<i32>} : memref<128x128xf32, #tpu.memory_space<vmem>>, vector<1x16xf32>,
      %swap3A_110 = vector.shape_cast %swap3A_109 : vector<1x16xf32> to vector<16xf32>
      %swap3A_111 = vector.shape_cast %parallel_loop3A_73#6 : vector<16xf32> to vector<1x16xf32>
      tpu.vector_store %arg10[%swap3A_107, %swap3A_108], %swap3A_111 {strides = array<i32>} : memref<128x128xf32, #tpu.memory_space<vmem>>, vector<1x16xf32>,
      %swap3A_112 = arith.index_cast %add3A_77 : i32 to index
      %swap3A_113 = arith.constant 112 : index
      %swap3A_114 = tpu.vector_load %arg10[%swap3A_112, %swap3A_113] {strides = array<i32>} : memref<128x128xf32, #tpu.memory_space<vmem>>, vector<1x16xf32>,
      %swap3A_115 = vector.shape_cast %swap3A_114 : vector<1x16xf32> to vector<16xf32>
      %swap3A_116 = vector.shape_cast %parallel_loop3A_73#7 : vector<16xf32> to vector<1x16xf32>
      tpu.vector_store %arg10[%swap3A_112, %swap3A_113], %swap3A_116 {strides = array<i32>} : memref<128x128xf32, #tpu.memory_space<vmem>>, vector<1x16xf32>,
      %broadcast_in_dim3A_117 = arith.constant 0.000000e+00 : f32
      %broadcast_in_dim3A_118 = vector.broadcast %broadcast_in_dim3A_117 : f32 to vector<16xf32>
      %broadcast_in_dim3A_119 = arith.constant 0.000000e+00 : f32
      %broadcast_in_dim3A_120 = vector.broadcast %broadcast_in_dim3A_119 : f32 to vector<16xf32>
      %broadcast_in_dim3A_121 = arith.constant 0.000000e+00 : f32
      %broadcast_in_dim3A_122 = vector.broadcast %broadcast_in_dim3A_121 : f32 to vector<16xf32>
      %broadcast_in_dim3A_123 = arith.constant 0.000000e+00 : f32
      %broadcast_in_dim3A_124 = vector.broadcast %broadcast_in_dim3A_123 : f32 to vector<16xf32>
      %broadcast_in_dim3A_125 = arith.constant 0.000000e+00 : f32
      %broadcast_in_dim3A_126 = vector.broadcast %broadcast_in_dim3A_125 : f32 to vector<16xf32>
      %broadcast_in_dim3A_127 = arith.constant 0.000000e+00 : f32
      %broadcast_in_dim3A_128 = vector.broadcast %broadcast_in_dim3A_127 : f32 to vector<16xf32>
      %broadcast_in_dim3A_129 = arith.constant 0.000000e+00 : f32
      %broadcast_in_dim3A_130 = vector.broadcast %broadcast_in_dim3A_129 : f32 to vector<16xf32>
      %broadcast_in_dim3A_131 = arith.constant 0.000000e+00 : f32
      %broadcast_in_dim3A_132 = vector.broadcast %broadcast_in_dim3A_131 : f32 to vector<16xf32>
      %parallel_loop3A_133 = arith.constant 50 : i32
      %parallel_loop3A_134 = arith.constant 100 : i32
      %parallel_loop3A_135 = arith.constant 1 : i32
      %parallel_loop3A_136:8 = scf.for %parallel_loop3A_681 = %parallel_loop3A_133 to %parallel_loop3A_134 step %parallel_loop3A_135 iter_args(%parallel_loop3A_682 = %broadcast_in_dim3A_118, %parallel_loop3A_683 = %broadcast_in_dim3A_120, %parallel_loop3A_684 = %broadcast_in_dim3A_122, %parallel_loop3A_685 = %broadcast_in_dim3A_124, %parallel_loop3A_686 = %broadcast_in_dim3A_126, %parallel_loop3A_687 = %broadcast_in_dim3A_128, %parallel_loop3A_688 = %broadcast_in_dim3A_130, %parallel_loop3A_689 = %broadcast_in_dim3A_132) -> (vector<16xf32>, vector<16xf32>, vector<16xf32>, vector<16xf32>, vector<16xf32>, vector<16xf32>, vector<16xf32>, vector<16xf32>)  : i32 {
        %parallel_loop3A_690 = arith.index_cast %parallel_loop3A_681 : i32 to index
        %parallel_loop3A_691 = arith.constant 0 : index
        %parallel_loop3A_692 = tpu.vector_load %arg6[%parallel_loop3A_690, %parallel_loop3A_691] {strides = array<i32>} : memref<104x128xf32, #tpu.memory_space<vmem>>, vector<1x16xf32>,
        %parallel_loop3A_693 = vector.shape_cast %parallel_loop3A_692 : vector<1x16xf32> to vector<16xf32>
        %parallel_loop3A_694 = arith.addf %parallel_loop3A_682, %parallel_loop3A_693 : vector<16xf32>
        %parallel_loop3A_695 = arith.index_cast %parallel_loop3A_681 : i32 to index
        %parallel_loop3A_696 = arith.constant 16 : index
        %parallel_loop3A_697 = tpu.vector_load %arg6[%parallel_loop3A_695, %parallel_loop3A_696] {strides = array<i32>} : memref<104x128xf32, #tpu.memory_space<vmem>>, vector<1x16xf32>,
        %parallel_loop3A_698 = vector.shape_cast %parallel_loop3A_697 : vector<1x16xf32> to vector<16xf32>
        %parallel_loop3A_699 = arith.addf %parallel_loop3A_683, %parallel_loop3A_698 : vector<16xf32>
        %parallel_loop3A_700 = arith.index_cast %parallel_loop3A_681 : i32 to index
        %parallel_loop3A_701 = arith.constant 32 : index
        %parallel_loop3A_702 = tpu.vector_load %arg6[%parallel_loop3A_700, %parallel_loop3A_701] {strides = array<i32>} : memref<104x128xf32, #tpu.memory_space<vmem>>, vector<1x16xf32>,
        %parallel_loop3A_703 = vector.shape_cast %parallel_loop3A_702 : vector<1x16xf32> to vector<16xf32>
        %parallel_loop3A_704 = arith.addf %parallel_loop3A_684, %parallel_loop3A_703 : vector<16xf32>
        %parallel_loop3A_705 = arith.index_cast %parallel_loop3A_681 : i32 to index
        %parallel_loop3A_706 = arith.constant 48 : index
        %parallel_loop3A_707 = tpu.vector_load %arg6[%parallel_loop3A_705, %parallel_loop3A_706] {strides = array<i32>} : memref<104x128xf32, #tpu.memory_space<vmem>>, vector<1x16xf32>,
        %parallel_loop3A_708 = vector.shape_cast %parallel_loop3A_707 : vector<1x16xf32> to vector<16xf32>
        %parallel_loop3A_709 = arith.addf %parallel_loop3A_685, %parallel_loop3A_708 : vector<16xf32>
        %parallel_loop3A_710 = arith.index_cast %parallel_loop3A_681 : i32 to index
        %parallel_loop3A_711 = arith.constant 64 : index
        %parallel_loop3A_712 = tpu.vector_load %arg6[%parallel_loop3A_710, %parallel_loop3A_711] {strides = array<i32>} : memref<104x128xf32, #tpu.memory_space<vmem>>, vector<1x16xf32>,
        %parallel_loop3A_713 = vector.shape_cast %parallel_loop3A_712 : vector<1x16xf32> to vector<16xf32>
        %parallel_loop3A_714 = arith.addf %parallel_loop3A_686, %parallel_loop3A_713 : vector<16xf32>
        %parallel_loop3A_715 = arith.index_cast %parallel_loop3A_681 : i32 to index
        %parallel_loop3A_716 = arith.constant 80 : index
        %parallel_loop3A_717 = tpu.vector_load %arg6[%parallel_loop3A_715, %parallel_loop3A_716] {strides = array<i32>} : memref<104x128xf32, #tpu.memory_space<vmem>>, vector<1x16xf32>,
        %parallel_loop3A_718 = vector.shape_cast %parallel_loop3A_717 : vector<1x16xf32> to vector<16xf32>
        %parallel_loop3A_719 = arith.addf %parallel_loop3A_687, %parallel_loop3A_718 : vector<16xf32>
        %parallel_loop3A_720 = arith.index_cast %parallel_loop3A_681 : i32 to index
        %parallel_loop3A_721 = arith.constant 96 : index
        %parallel_loop3A_722 = tpu.vector_load %arg6[%parallel_loop3A_720, %parallel_loop3A_721] {strides = array<i32>} : memref<104x128xf32, #tpu.memory_space<vmem>>, vector<1x16xf32>,
        %parallel_loop3A_723 = vector.shape_cast %parallel_loop3A_722 : vector<1x16xf32> to vector<16xf32>
        %parallel_loop3A_724 = arith.addf %parallel_loop3A_688, %parallel_loop3A_723 : vector<16xf32>
        %parallel_loop3A_725 = arith.index_cast %parallel_loop3A_681 : i32 to index
        %parallel_loop3A_726 = arith.constant 112 : index
        %parallel_loop3A_727 = tpu.vector_load %arg6[%parallel_loop3A_725, %parallel_loop3A_726] {strides = array<i32>} : memref<104x128xf32, #tpu.memory_space<vmem>>, vector<1x16xf32>,
        %parallel_loop3A_728 = vector.shape_cast %parallel_loop3A_727 : vector<1x16xf32> to vector<16xf32>
        %parallel_loop3A_729 = arith.addf %parallel_loop3A_689, %parallel_loop3A_728 : vector<16xf32>
        scf.yield %parallel_loop3A_694, %parallel_loop3A_699, %parallel_loop3A_704, %parallel_loop3A_709, %parallel_loop3A_714, %parallel_loop3A_719, %parallel_loop3A_724, %parallel_loop3A_729 : vector<16xf32>, vector<16xf32>, vector<16xf32>, vector<16xf32>, vector<16xf32>, vector<16xf32>, vector<16xf32>, vector<16xf32>
      } {sc.loop_unroll_factor = 5 : i64, sc.parallel_access}
      %mul3A_137 = arith.constant 2 : i32
      %mul3A_138 = arith.muli %mul3A_137, %add3A_45 : i32
      %add3A_139 = arith.constant 1 : i32
      %add3A_140 = arith.addi %mul3A_138, %add3A_139 : i32
      %swap3A_141 = arith.index_cast %add3A_140 : i32 to index
      %swap3A_142 = arith.constant 0 : index
      %swap3A_143 = tpu.vector_load %arg10[%swap3A_141, %swap3A_142] {strides = array<i32>} : memref<128x128xf32, #tpu.memory_space<vmem>>, vector<1x16xf32>,
      %swap3A_144 = vector.shape_cast %swap3A_143 : vector<1x16xf32> to vector<16xf32>
      %swap3A_145 = vector.shape_cast %parallel_loop3A_136#0 : vector<16xf32> to vector<1x16xf32>
      tpu.vector_store %arg10[%swap3A_141, %swap3A_142], %swap3A_145 {strides = array<i32>} : memref<128x128xf32, #tpu.memory_space<vmem>>, vector<1x16xf32>,
      %swap3A_146 = arith.index_cast %add3A_140 : i32 to index
      %swap3A_147 = arith.constant 16 : index
      %swap3A_148 = tpu.vector_load %arg10[%swap3A_146, %swap3A_147] {strides = array<i32>} : memref<128x128xf32, #tpu.memory_space<vmem>>, vector<1x16xf32>,
      %swap3A_149 = vector.shape_cast %swap3A_148 : vector<1x16xf32> to vector<16xf32>
      %swap3A_150 = vector.shape_cast %parallel_loop3A_136#1 : vector<16xf32> to vector<1x16xf32>
      tpu.vector_store %arg10[%swap3A_146, %swap3A_147], %swap3A_150 {strides = array<i32>} : memref<128x128xf32, #tpu.memory_space<vmem>>, vector<1x16xf32>,
      %swap3A_151 = arith.index_cast %add3A_140 : i32 to index
      %swap3A_152 = arith.constant 32 : index
      %swap3A_153 = tpu.vector_load %arg10[%swap3A_151, %swap3A_152] {strides = array<i32>} : memref<128x128xf32, #tpu.memory_space<vmem>>, vector<1x16xf32>,
      %swap3A_154 = vector.shape_cast %swap3A_153 : vector<1x16xf32> to vector<16xf32>
      %swap3A_155 = vector.shape_cast %parallel_loop3A_136#2 : vector<16xf32> to vector<1x16xf32>
      tpu.vector_store %arg10[%swap3A_151, %swap3A_152], %swap3A_155 {strides = array<i32>} : memref<128x128xf32, #tpu.memory_space<vmem>>, vector<1x16xf32>,
      %swap3A_156 = arith.index_cast %add3A_140 : i32 to index
      %swap3A_157 = arith.constant 48 : index
      %swap3A_158 = tpu.vector_load %arg10[%swap3A_156, %swap3A_157] {strides = array<i32>} : memref<128x128xf32, #tpu.memory_space<vmem>>, vector<1x16xf32>,
      %swap3A_159 = vector.shape_cast %swap3A_158 : vector<1x16xf32> to vector<16xf32>
      %swap3A_160 = vector.shape_cast %parallel_loop3A_136#3 : vector<16xf32> to vector<1x16xf32>
      tpu.vector_store %arg10[%swap3A_156, %swap3A_157], %swap3A_160 {strides = array<i32>} : memref<128x128xf32, #tpu.memory_space<vmem>>, vector<1x16xf32>,
      %swap3A_161 = arith.index_cast %add3A_140 : i32 to index
      %swap3A_162 = arith.constant 64 : index
      %swap3A_163 = tpu.vector_load %arg10[%swap3A_161, %swap3A_162] {strides = array<i32>} : memref<128x128xf32, #tpu.memory_space<vmem>>, vector<1x16xf32>,
      %swap3A_164 = vector.shape_cast %swap3A_163 : vector<1x16xf32> to vector<16xf32>
      %swap3A_165 = vector.shape_cast %parallel_loop3A_136#4 : vector<16xf32> to vector<1x16xf32>
      tpu.vector_store %arg10[%swap3A_161, %swap3A_162], %swap3A_165 {strides = array<i32>} : memref<128x128xf32, #tpu.memory_space<vmem>>, vector<1x16xf32>,
      %swap3A_166 = arith.index_cast %add3A_140 : i32 to index
      %swap3A_167 = arith.constant 80 : index
      %swap3A_168 = tpu.vector_load %arg10[%swap3A_166, %swap3A_167] {strides = array<i32>} : memref<128x128xf32, #tpu.memory_space<vmem>>, vector<1x16xf32>,
      %swap3A_169 = vector.shape_cast %swap3A_168 : vector<1x16xf32> to vector<16xf32>
      %swap3A_170 = vector.shape_cast %parallel_loop3A_136#5 : vector<16xf32> to vector<1x16xf32>
      tpu.vector_store %arg10[%swap3A_166, %swap3A_167], %swap3A_170 {strides = array<i32>} : memref<128x128xf32, #tpu.memory_space<vmem>>, vector<1x16xf32>,
      %swap3A_171 = arith.index_cast %add3A_140 : i32 to index
      %swap3A_172 = arith.constant 96 : index
      %swap3A_173 = tpu.vector_load %arg10[%swap3A_171, %swap3A_172] {strides = array<i32>} : memref<128x128xf32, #tpu.memory_space<vmem>>, vector<1x16xf32>,
      %swap3A_174 = vector.shape_cast %swap3A_173 : vector<1x16xf32> to vector<16xf32>
      %swap3A_175 = vector.shape_cast %parallel_loop3A_136#6 : vector<16xf32> to vector<1x16xf32>
      tpu.vector_store %arg10[%swap3A_171, %swap3A_172], %swap3A_175 {strides = array<i32>} : memref<128x128xf32, #tpu.memory_space<vmem>>, vector<1x16xf32>,
      %swap3A_176 = arith.index_cast %add3A_140 : i32 to index
      %swap3A_177 = arith.constant 112 : index
      %swap3A_178 = tpu.vector_load %arg10[%swap3A_176, %swap3A_177] {strides = array<i32>} : memref<128x128xf32, #tpu.memory_space<vmem>>, vector<1x16xf32>,
      %swap3A_179 = vector.shape_cast %swap3A_178 : vector<1x16xf32> to vector<16xf32>
      %swap3A_180 = vector.shape_cast %parallel_loop3A_136#7 : vector<16xf32> to vector<1x16xf32>
      tpu.vector_store %arg10[%swap3A_176, %swap3A_177], %swap3A_180 {strides = array<i32>} : memref<128x128xf32, #tpu.memory_space<vmem>>, vector<1x16xf32>,
      %mul3A_181 = arith.constant 2 : i32
      %mul3A_182 = arith.muli %mul3A_181, %add3A_45 : i32
      %mul3A_183 = arith.constant 128 : i32
      %mul3A_184 = arith.muli %add3A, %mul3A_183 : i32
      %add3A_185 = arith.addi %mul3A_184, %mul3A_182 : i32
      %dma_start3A_186 = arith.constant 0 : i32
      %dma_start3A_187 = tpu.memref_slice %arg10[%mul3A_182, %dma_start3A_186] : memref<128x128xf32, #tpu.memory_space<vmem>> -> memref<2x128xf32, #tpu.memory_space<vmem>>
      %dma_start3A_188 = arith.constant 0 : i32
      %dma_start3A_189 = tpu.memref_slice %arg4[%add3A_185, %dma_start3A_188] : memref<4096x128xf32, #tpu.memory_space<hbm>> -> memref<2x128xf32, #tpu.memory_space<hbm>>
      %dma_start3A_190 = arith.constant 0 : i32
      %dma_start3A_191 = tpu.memref_slice %arg4[%add3A_185, %dma_start3A_190] : memref<4096x128xf32, #tpu.memory_space<hbm>> -> memref<2x128xf32, #tpu.memory_space<hbm>>
      %dma_start3A_192 = arith.constant 0 : i32
      %dma_start3A_193 = tpu.memref_slice %arg10[%mul3A_182, %dma_start3A_192] : memref<128x128xf32, #tpu.memory_space<vmem>> -> memref<2x128xf32, #tpu.memory_space<vmem>>
      tpu.enqueue_dma source(%dma_start3A_193 : memref<2x128xf32, #tpu.memory_space<vmem>>) target(%dma_start3A_191 : memref<2x128xf32, #tpu.memory_space<hbm>>) target_semaphore(%arg15 : memref<!tpu.dma_semaphore, #tpu.memory_space<semaphore_mem>>)
      %add3A_194 = arith.constant 4 : i32
      %add3A_195 = arith.addi %add3A_45, %add3A_194 : i32
      %lt3A = arith.constant 64 : i32
      %lt3A_196 = arith.cmpi slt, %add3A_195, %lt3A : i32
      %convert_element_type3A = arith.extui %lt3A_196 : i1 to i32
      %cond3A = arith.constant 0 : i32
      %cond3A_197 = arith.cmpi ne, %convert_element_type3A, %cond3A : i32
      scf.if %cond3A_197 {
        %mul3A_681 = arith.constant 100 : i32
        %mul3A_682 = arith.muli %add3A_195, %mul3A_681 : i32
        %multiple_of3A_683 = tpu.assume_multiple %mul3A_682, 8 : i32
        %dma_start3A_684 = arith.constant 0 : i32
        %dma_start3A_685 = arith.constant 0 : i32
        %dma_start3A_686 = tpu.memref_slice %arg6[%dma_start3A_684, %dma_start3A_685] : memref<104x128xf32, #tpu.memory_space<vmem>> -> memref<100x128xf32, #tpu.memory_space<vmem>>
        %dma_start3A_687 = tpu.memref_slice %arg5[%multiple_of3A_683] : memref<6400xi32, #tpu.memory_space<vmem>> -> memref<100xi32, #tpu.memory_space<vmem>>
        %dma_start3A_688 = arith.constant 0 : i32
        %dma_start3A_689 = arith.constant 0 : i32
        %dma_start3A_690 = tpu.memref_slice %arg2[%dma_start3A_688, %dma_start3A_689] : memref<100000x128xf32, #tpu.memory_space<hbm>> -> memref<100000x128xf32, #tpu.memory_space<hbm>>
        tpu.enqueue_indirect_dma source(%dma_start3A_690 : memref<100000x128xf32, #tpu.memory_space<hbm>>) target(%dma_start3A_686 : memref<100x128xf32, #tpu.memory_space<vmem>>) offsets(%dma_start3A_687 : memref<100xi32, #tpu.memory_space<vmem>>) semaphore(%arg11 : memref<!tpu.dma_semaphore, #tpu.memory_space<semaphore_mem>>)
      } else {
      }
      %mul3A_198 = arith.constant 4 : i32
      %mul3A_199 = arith.muli %mul3A_198, %scan3A_41 : i32
      %add3A_200 = arith.constant 1 : i32
      %add3A_201 = arith.addi %mul3A_199, %add3A_200 : i32
      %mul3A_202 = arith.constant 100 : i32
      %mul3A_203 = arith.muli %add3A_201, %mul3A_202 : i32
      %sub3A = arith.constant 4 : i32
      %sub3A_204 = arith.subi %mul3A_203, %sub3A : i32
      %multiple_of3A_205 = tpu.assume_multiple %sub3A_204, 8 : i32
      %dma_wait3A_206 = tpu.memref_slice %arg5[%multiple_of3A_205] : memref<6400xi32, #tpu.memory_space<vmem>> -> memref<104xi32, #tpu.memory_space<vmem>>
      %dma_wait3A_207 = arith.constant 0 : i32
      %dma_wait3A_208 = arith.constant 0 : i32
      %dma_wait3A_209 = tpu.memref_slice %arg2[%dma_wait3A_207, %dma_wait3A_208] : memref<100000x128xf32, #tpu.memory_space<hbm>> -> memref<100000x128xf32, #tpu.memory_space<hbm>>
      tpu.wait_indirect_dma semaphore(%arg12 : memref<!tpu.dma_semaphore, #tpu.memory_space<semaphore_mem>>) src(%dma_wait3A_209 : memref<100000x128xf32, #tpu.memory_space<hbm>>) dst(%arg7 : memref<104x128xf32, #tpu.memory_space<vmem>>)
      %broadcast_in_dim3A_210 = arith.constant 0.000000e+00 : f32
      %broadcast_in_dim3A_211 = vector.broadcast %broadcast_in_dim3A_210 : f32 to vector<16xf32>
      %broadcast_in_dim3A_212 = arith.constant 0.000000e+00 : f32
      %broadcast_in_dim3A_213 = vector.broadcast %broadcast_in_dim3A_212 : f32 to vector<16xf32>
      %broadcast_in_dim3A_214 = arith.constant 0.000000e+00 : f32
      %broadcast_in_dim3A_215 = vector.broadcast %broadcast_in_dim3A_214 : f32 to vector<16xf32>
      %broadcast_in_dim3A_216 = arith.constant 0.000000e+00 : f32
      %broadcast_in_dim3A_217 = vector.broadcast %broadcast_in_dim3A_216 : f32 to vector<16xf32>
      %broadcast_in_dim3A_218 = arith.constant 0.000000e+00 : f32
      %broadcast_in_dim3A_219 = vector.broadcast %broadcast_in_dim3A_218 : f32 to vector<16xf32>
      %broadcast_in_dim3A_220 = arith.constant 0.000000e+00 : f32
      %broadcast_in_dim3A_221 = vector.broadcast %broadcast_in_dim3A_220 : f32 to vector<16xf32>
      %broadcast_in_dim3A_222 = arith.constant 0.000000e+00 : f32
      %broadcast_in_dim3A_223 = vector.broadcast %broadcast_in_dim3A_222 : f32 to vector<16xf32>
      %broadcast_in_dim3A_224 = arith.constant 0.000000e+00 : f32
      %broadcast_in_dim3A_225 = vector.broadcast %broadcast_in_dim3A_224 : f32 to vector<16xf32>
      %parallel_loop3A_226 = arith.constant 4 : i32
      %parallel_loop3A_227 = arith.constant 54 : i32
      %parallel_loop3A_228 = arith.constant 1 : i32
      %parallel_loop3A_229:8 = scf.for %parallel_loop3A_681 = %parallel_loop3A_226 to %parallel_loop3A_227 step %parallel_loop3A_228 iter_args(%parallel_loop3A_682 = %broadcast_in_dim3A_211, %parallel_loop3A_683 = %broadcast_in_dim3A_213, %parallel_loop3A_684 = %broadcast_in_dim3A_215, %parallel_loop3A_685 = %broadcast_in_dim3A_217, %parallel_loop3A_686 = %broadcast_in_dim3A_219, %parallel_loop3A_687 = %broadcast_in_dim3A_221, %parallel_loop3A_688 = %broadcast_in_dim3A_223, %parallel_loop3A_689 = %broadcast_in_dim3A_225) -> (vector<16xf32>, vector<16xf32>, vector<16xf32>, vector<16xf32>, vector<16xf32>, vector<16xf32>, vector<16xf32>, vector<16xf32>)  : i32 {
        %parallel_loop3A_690 = arith.index_cast %parallel_loop3A_681 : i32 to index
        %parallel_loop3A_691 = arith.constant 0 : index
        %parallel_loop3A_692 = tpu.vector_load %arg7[%parallel_loop3A_690, %parallel_loop3A_691] {strides = array<i32>} : memref<104x128xf32, #tpu.memory_space<vmem>>, vector<1x16xf32>,
        %parallel_loop3A_693 = vector.shape_cast %parallel_loop3A_692 : vector<1x16xf32> to vector<16xf32>
        %parallel_loop3A_694 = arith.addf %parallel_loop3A_682, %parallel_loop3A_693 : vector<16xf32>
        %parallel_loop3A_695 = arith.index_cast %parallel_loop3A_681 : i32 to index
        %parallel_loop3A_696 = arith.constant 16 : index
        %parallel_loop3A_697 = tpu.vector_load %arg7[%parallel_loop3A_695, %parallel_loop3A_696] {strides = array<i32>} : memref<104x128xf32, #tpu.memory_space<vmem>>, vector<1x16xf32>,
        %parallel_loop3A_698 = vector.shape_cast %parallel_loop3A_697 : vector<1x16xf32> to vector<16xf32>
        %parallel_loop3A_699 = arith.addf %parallel_loop3A_683, %parallel_loop3A_698 : vector<16xf32>
        %parallel_loop3A_700 = arith.index_cast %parallel_loop3A_681 : i32 to index
        %parallel_loop3A_701 = arith.constant 32 : index
        %parallel_loop3A_702 = tpu.vector_load %arg7[%parallel_loop3A_700, %parallel_loop3A_701] {strides = array<i32>} : memref<104x128xf32, #tpu.memory_space<vmem>>, vector<1x16xf32>,
        %parallel_loop3A_703 = vector.shape_cast %parallel_loop3A_702 : vector<1x16xf32> to vector<16xf32>
        %parallel_loop3A_704 = arith.addf %parallel_loop3A_684, %parallel_loop3A_703 : vector<16xf32>
        %parallel_loop3A_705 = arith.index_cast %parallel_loop3A_681 : i32 to index
        %parallel_loop3A_706 = arith.constant 48 : index
        %parallel_loop3A_707 = tpu.vector_load %arg7[%parallel_loop3A_705, %parallel_loop3A_706] {strides = array<i32>} : memref<104x128xf32, #tpu.memory_space<vmem>>, vector<1x16xf32>,
        %parallel_loop3A_708 = vector.shape_cast %parallel_loop3A_707 : vector<1x16xf32> to vector<16xf32>
        %parallel_loop3A_709 = arith.addf %parallel_loop3A_685, %parallel_loop3A_708 : vector<16xf32>
        %parallel_loop3A_710 = arith.index_cast %parallel_loop3A_681 : i32 to index
        %parallel_loop3A_711 = arith.constant 64 : index
        %parallel_loop3A_712 = tpu.vector_load %arg7[%parallel_loop3A_710, %parallel_loop3A_711] {strides = array<i32>} : memref<104x128xf32, #tpu.memory_space<vmem>>, vector<1x16xf32>,
        %parallel_loop3A_713 = vector.shape_cast %parallel_loop3A_712 : vector<1x16xf32> to vector<16xf32>
        %parallel_loop3A_714 = arith.addf %parallel_loop3A_686, %parallel_loop3A_713 : vector<16xf32>
        %parallel_loop3A_715 = arith.index_cast %parallel_loop3A_681 : i32 to index
        %parallel_loop3A_716 = arith.constant 80 : index
        %parallel_loop3A_717 = tpu.vector_load %arg7[%parallel_loop3A_715, %parallel_loop3A_716] {strides = array<i32>} : memref<104x128xf32, #tpu.memory_space<vmem>>, vector<1x16xf32>,
        %parallel_loop3A_718 = vector.shape_cast %parallel_loop3A_717 : vector<1x16xf32> to vector<16xf32>
        %parallel_loop3A_719 = arith.addf %parallel_loop3A_687, %parallel_loop3A_718 : vector<16xf32>
        %parallel_loop3A_720 = arith.index_cast %parallel_loop3A_681 : i32 to index
        %parallel_loop3A_721 = arith.constant 96 : index
        %parallel_loop3A_722 = tpu.vector_load %arg7[%parallel_loop3A_720, %parallel_loop3A_721] {strides = array<i32>} : memref<104x128xf32, #tpu.memory_space<vmem>>, vector<1x16xf32>,
        %parallel_loop3A_723 = vector.shape_cast %parallel_loop3A_722 : vector<1x16xf32> to vector<16xf32>
        %parallel_loop3A_724 = arith.addf %parallel_loop3A_688, %parallel_loop3A_723 : vector<16xf32>
        %parallel_loop3A_725 = arith.index_cast %parallel_loop3A_681 : i32 to index
        %parallel_loop3A_726 = arith.constant 112 : index
        %parallel_loop3A_727 = tpu.vector_load %arg7[%parallel_loop3A_725, %parallel_loop3A_726] {strides = array<i32>} : memref<104x128xf32, #tpu.memory_space<vmem>>, vector<1x16xf32>,
        %parallel_loop3A_728 = vector.shape_cast %parallel_loop3A_727 : vector<1x16xf32> to vector<16xf32>
        %parallel_loop3A_729 = arith.addf %parallel_loop3A_689, %parallel_loop3A_728 : vector<16xf32>
        scf.yield %parallel_loop3A_694, %parallel_loop3A_699, %parallel_loop3A_704, %parallel_loop3A_709, %parallel_loop3A_714, %parallel_loop3A_719, %parallel_loop3A_724, %parallel_loop3A_729 : vector<16xf32>, vector<16xf32>, vector<16xf32>, vector<16xf32>, vector<16xf32>, vector<16xf32>, vector<16xf32>, vector<16xf32>
      } {sc.loop_unroll_factor = 5 : i64, sc.parallel_access}
      %mul3A_230 = arith.constant 2 : i32
      %mul3A_231 = arith.muli %mul3A_230, %add3A_201 : i32
      %add3A_232 = arith.constant 0 : i32
      %add3A_233 = arith.addi %mul3A_231, %add3A_232 : i32
      %swap3A_234 = arith.index_cast %add3A_233 : i32 to index
      %swap3A_235 = arith.constant 0 : index
      %swap3A_236 = tpu.vector_load %arg10[%swap3A_234, %swap3A_235] {strides = array<i32>} : memref<128x128xf32, #tpu.memory_space<vmem>>, vector<1x16xf32>,
      %swap3A_237 = vector.shape_cast %swap3A_236 : vector<1x16xf32> to vector<16xf32>
      %swap3A_238 = vector.shape_cast %parallel_loop3A_229#0 : vector<16xf32> to vector<1x16xf32>
      tpu.vector_store %arg10[%swap3A_234, %swap3A_235], %swap3A_238 {strides = array<i32>} : memref<128x128xf32, #tpu.memory_space<vmem>>, vector<1x16xf32>,
      %swap3A_239 = arith.index_cast %add3A_233 : i32 to index
      %swap3A_240 = arith.constant 16 : index
      %swap3A_241 = tpu.vector_load %arg10[%swap3A_239, %swap3A_240] {strides = array<i32>} : memref<128x128xf32, #tpu.memory_space<vmem>>, vector<1x16xf32>,
      %swap3A_242 = vector.shape_cast %swap3A_241 : vector<1x16xf32> to vector<16xf32>
      %swap3A_243 = vector.shape_cast %parallel_loop3A_229#1 : vector<16xf32> to vector<1x16xf32>
      tpu.vector_store %arg10[%swap3A_239, %swap3A_240], %swap3A_243 {strides = array<i32>} : memref<128x128xf32, #tpu.memory_space<vmem>>, vector<1x16xf32>,
      %swap3A_244 = arith.index_cast %add3A_233 : i32 to index
      %swap3A_245 = arith.constant 32 : index
      %swap3A_246 = tpu.vector_load %arg10[%swap3A_244, %swap3A_245] {strides = array<i32>} : memref<128x128xf32, #tpu.memory_space<vmem>>, vector<1x16xf32>,
      %swap3A_247 = vector.shape_cast %swap3A_246 : vector<1x16xf32> to vector<16xf32>
      %swap3A_248 = vector.shape_cast %parallel_loop3A_229#2 : vector<16xf32> to vector<1x16xf32>
      tpu.vector_store %arg10[%swap3A_244, %swap3A_245], %swap3A_248 {strides = array<i32>} : memref<128x128xf32, #tpu.memory_space<vmem>>, vector<1x16xf32>,
      %swap3A_249 = arith.index_cast %add3A_233 : i32 to index
      %swap3A_250 = arith.constant 48 : index
      %swap3A_251 = tpu.vector_load %arg10[%swap3A_249, %swap3A_250] {strides = array<i32>} : memref<128x128xf32, #tpu.memory_space<vmem>>, vector<1x16xf32>,
      %swap3A_252 = vector.shape_cast %swap3A_251 : vector<1x16xf32> to vector<16xf32>
      %swap3A_253 = vector.shape_cast %parallel_loop3A_229#3 : vector<16xf32> to vector<1x16xf32>
      tpu.vector_store %arg10[%swap3A_249, %swap3A_250], %swap3A_253 {strides = array<i32>} : memref<128x128xf32, #tpu.memory_space<vmem>>, vector<1x16xf32>,
      %swap3A_254 = arith.index_cast %add3A_233 : i32 to index
      %swap3A_255 = arith.constant 64 : index
      %swap3A_256 = tpu.vector_load %arg10[%swap3A_254, %swap3A_255] {strides = array<i32>} : memref<128x128xf32, #tpu.memory_space<vmem>>, vector<1x16xf32>,
      %swap3A_257 = vector.shape_cast %swap3A_256 : vector<1x16xf32> to vector<16xf32>
      %swap3A_258 = vector.shape_cast %parallel_loop3A_229#4 : vector<16xf32> to vector<1x16xf32>
      tpu.vector_store %arg10[%swap3A_254, %swap3A_255], %swap3A_258 {strides = array<i32>} : memref<128x128xf32, #tpu.memory_space<vmem>>, vector<1x16xf32>,
      %swap3A_259 = arith.index_cast %add3A_233 : i32 to index
      %swap3A_260 = arith.constant 80 : index
      %swap3A_261 = tpu.vector_load %arg10[%swap3A_259, %swap3A_260] {strides = array<i32>} : memref<128x128xf32, #tpu.memory_space<vmem>>, vector<1x16xf32>,
      %swap3A_262 = vector.shape_cast %swap3A_261 : vector<1x16xf32> to vector<16xf32>
      %swap3A_263 = vector.shape_cast %parallel_loop3A_229#5 : vector<16xf32> to vector<1x16xf32>
      tpu.vector_store %arg10[%swap3A_259, %swap3A_260], %swap3A_263 {strides = array<i32>} : memref<128x128xf32, #tpu.memory_space<vmem>>, vector<1x16xf32>,
      %swap3A_264 = arith.index_cast %add3A_233 : i32 to index
      %swap3A_265 = arith.constant 96 : index
      %swap3A_266 = tpu.vector_load %arg10[%swap3A_264, %swap3A_265] {strides = array<i32>} : memref<128x128xf32, #tpu.memory_space<vmem>>, vector<1x16xf32>,
      %swap3A_267 = vector.shape_cast %swap3A_266 : vector<1x16xf32> to vector<16xf32>
      %swap3A_268 = vector.shape_cast %parallel_loop3A_229#6 : vector<16xf32> to vector<1x16xf32>
      tpu.vector_store %arg10[%swap3A_264, %swap3A_265], %swap3A_268 {strides = array<i32>} : memref<128x128xf32, #tpu.memory_space<vmem>>, vector<1x16xf32>,
      %swap3A_269 = arith.index_cast %add3A_233 : i32 to index
      %swap3A_270 = arith.constant 112 : index
      %swap3A_271 = tpu.vector_load %arg10[%swap3A_269, %swap3A_270] {strides = array<i32>} : memref<128x128xf32, #tpu.memory_space<vmem>>, vector<1x16xf32>,
      %swap3A_272 = vector.shape_cast %swap3A_271 : vector<1x16xf32> to vector<16xf32>
      %swap3A_273 = vector.shape_cast %parallel_loop3A_229#7 : vector<16xf32> to vector<1x16xf32>
      tpu.vector_store %arg10[%swap3A_269, %swap3A_270], %swap3A_273 {strides = array<i32>} : memref<128x128xf32, #tpu.memory_space<vmem>>, vector<1x16xf32>,
      %broadcast_in_dim3A_274 = arith.constant 0.000000e+00 : f32
      %broadcast_in_dim3A_275 = vector.broadcast %broadcast_in_dim3A_274 : f32 to vector<16xf32>
      %broadcast_in_dim3A_276 = arith.constant 0.000000e+00 : f32
      %broadcast_in_dim3A_277 = vector.broadcast %broadcast_in_dim3A_276 : f32 to vector<16xf32>
      %broadcast_in_dim3A_278 = arith.constant 0.000000e+00 : f32
      %broadcast_in_dim3A_279 = vector.broadcast %broadcast_in_dim3A_278 : f32 to vector<16xf32>
      %broadcast_in_dim3A_280 = arith.constant 0.000000e+00 : f32
      %broadcast_in_dim3A_281 = vector.broadcast %broadcast_in_dim3A_280 : f32 to vector<16xf32>
      %broadcast_in_dim3A_282 = arith.constant 0.000000e+00 : f32
      %broadcast_in_dim3A_283 = vector.broadcast %broadcast_in_dim3A_282 : f32 to vector<16xf32>
      %broadcast_in_dim3A_284 = arith.constant 0.000000e+00 : f32
      %broadcast_in_dim3A_285 = vector.broadcast %broadcast_in_dim3A_284 : f32 to vector<16xf32>
      %broadcast_in_dim3A_286 = arith.constant 0.000000e+00 : f32
      %broadcast_in_dim3A_287 = vector.broadcast %broadcast_in_dim3A_286 : f32 to vector<16xf32>
      %broadcast_in_dim3A_288 = arith.constant 0.000000e+00 : f32
      %broadcast_in_dim3A_289 = vector.broadcast %broadcast_in_dim3A_288 : f32 to vector<16xf32>
      %parallel_loop3A_290 = arith.constant 54 : i32
      %parallel_loop3A_291 = arith.constant 104 : i32
      %parallel_loop3A_292 = arith.constant 1 : i32
      %parallel_loop3A_293:8 = scf.for %parallel_loop3A_681 = %parallel_loop3A_290 to %parallel_loop3A_291 step %parallel_loop3A_292 iter_args(%parallel_loop3A_682 = %broadcast_in_dim3A_275, %parallel_loop3A_683 = %broadcast_in_dim3A_277, %parallel_loop3A_684 = %broadcast_in_dim3A_279, %parallel_loop3A_685 = %broadcast_in_dim3A_281, %parallel_loop3A_686 = %broadcast_in_dim3A_283, %parallel_loop3A_687 = %broadcast_in_dim3A_285, %parallel_loop3A_688 = %broadcast_in_dim3A_287, %parallel_loop3A_689 = %broadcast_in_dim3A_289) -> (vector<16xf32>, vector<16xf32>, vector<16xf32>, vector<16xf32>, vector<16xf32>, vector<16xf32>, vector<16xf32>, vector<16xf32>)  : i32 {
        %parallel_loop3A_690 = arith.index_cast %parallel_loop3A_681 : i32 to index
        %parallel_loop3A_691 = arith.constant 0 : index
        %parallel_loop3A_692 = tpu.vector_load %arg7[%parallel_loop3A_690, %parallel_loop3A_691] {strides = array<i32>} : memref<104x128xf32, #tpu.memory_space<vmem>>, vector<1x16xf32>,
        %parallel_loop3A_693 = vector.shape_cast %parallel_loop3A_692 : vector<1x16xf32> to vector<16xf32>
        %parallel_loop3A_694 = arith.addf %parallel_loop3A_682, %parallel_loop3A_693 : vector<16xf32>
        %parallel_loop3A_695 = arith.index_cast %parallel_loop3A_681 : i32 to index
        %parallel_loop3A_696 = arith.constant 16 : index
        %parallel_loop3A_697 = tpu.vector_load %arg7[%parallel_loop3A_695, %parallel_loop3A_696] {strides = array<i32>} : memref<104x128xf32, #tpu.memory_space<vmem>>, vector<1x16xf32>,
        %parallel_loop3A_698 = vector.shape_cast %parallel_loop3A_697 : vector<1x16xf32> to vector<16xf32>
        %parallel_loop3A_699 = arith.addf %parallel_loop3A_683, %parallel_loop3A_698 : vector<16xf32>
        %parallel_loop3A_700 = arith.index_cast %parallel_loop3A_681 : i32 to index
        %parallel_loop3A_701 = arith.constant 32 : index
        %parallel_loop3A_702 = tpu.vector_load %arg7[%parallel_loop3A_700, %parallel_loop3A_701] {strides = array<i32>} : memref<104x128xf32, #tpu.memory_space<vmem>>, vector<1x16xf32>,
        %parallel_loop3A_703 = vector.shape_cast %parallel_loop3A_702 : vector<1x16xf32> to vector<16xf32>
        %parallel_loop3A_704 = arith.addf %parallel_loop3A_684, %parallel_loop3A_703 : vector<16xf32>
        %parallel_loop3A_705 = arith.index_cast %parallel_loop3A_681 : i32 to index
        %parallel_loop3A_706 = arith.constant 48 : index
        %parallel_loop3A_707 = tpu.vector_load %arg7[%parallel_loop3A_705, %parallel_loop3A_706] {strides = array<i32>} : memref<104x128xf32, #tpu.memory_space<vmem>>, vector<1x16xf32>,
        %parallel_loop3A_708 = vector.shape_cast %parallel_loop3A_707 : vector<1x16xf32> to vector<16xf32>
        %parallel_loop3A_709 = arith.addf %parallel_loop3A_685, %parallel_loop3A_708 : vector<16xf32>
        %parallel_loop3A_710 = arith.index_cast %parallel_loop3A_681 : i32 to index
        %parallel_loop3A_711 = arith.constant 64 : index
        %parallel_loop3A_712 = tpu.vector_load %arg7[%parallel_loop3A_710, %parallel_loop3A_711] {strides = array<i32>} : memref<104x128xf32, #tpu.memory_space<vmem>>, vector<1x16xf32>,
        %parallel_loop3A_713 = vector.shape_cast %parallel_loop3A_712 : vector<1x16xf32> to vector<16xf32>
        %parallel_loop3A_714 = arith.addf %parallel_loop3A_686, %parallel_loop3A_713 : vector<16xf32>
        %parallel_loop3A_715 = arith.index_cast %parallel_loop3A_681 : i32 to index
        %parallel_loop3A_716 = arith.constant 80 : index
        %parallel_loop3A_717 = tpu.vector_load %arg7[%parallel_loop3A_715, %parallel_loop3A_716] {strides = array<i32>} : memref<104x128xf32, #tpu.memory_space<vmem>>, vector<1x16xf32>,
        %parallel_loop3A_718 = vector.shape_cast %parallel_loop3A_717 : vector<1x16xf32> to vector<16xf32>
        %parallel_loop3A_719 = arith.addf %parallel_loop3A_687, %parallel_loop3A_718 : vector<16xf32>
        %parallel_loop3A_720 = arith.index_cast %parallel_loop3A_681 : i32 to index
        %parallel_loop3A_721 = arith.constant 96 : index
        %parallel_loop3A_722 = tpu.vector_load %arg7[%parallel_loop3A_720, %parallel_loop3A_721] {strides = array<i32>} : memref<104x128xf32, #tpu.memory_space<vmem>>, vector<1x16xf32>,
        %parallel_loop3A_723 = vector.shape_cast %parallel_loop3A_722 : vector<1x16xf32> to vector<16xf32>
        %parallel_loop3A_724 = arith.addf %parallel_loop3A_688, %parallel_loop3A_723 : vector<16xf32>
        %parallel_loop3A_725 = arith.index_cast %parallel_loop3A_681 : i32 to index
        %parallel_loop3A_726 = arith.constant 112 : index
        %parallel_loop3A_727 = tpu.vector_load %arg7[%parallel_loop3A_725, %parallel_loop3A_726] {strides = array<i32>} : memref<104x128xf32, #tpu.memory_space<vmem>>, vector<1x16xf32>,
        %parallel_loop3A_728 = vector.shape_cast %parallel_loop3A_727 : vector<1x16xf32> to vector<16xf32>
        %parallel_loop3A_729 = arith.addf %parallel_loop3A_689, %parallel_loop3A_728 : vector<16xf32>
        scf.yield %parallel_loop3A_694, %parallel_loop3A_699, %parallel_loop3A_704, %parallel_loop3A_709, %parallel_loop3A_714, %parallel_loop3A_719, %parallel_loop3A_724, %parallel_loop3A_729 : vector<16xf32>, vector<16xf32>, vector<16xf32>, vector<16xf32>, vector<16xf32>, vector<16xf32>, vector<16xf32>, vector<16xf32>
      } {sc.loop_unroll_factor = 5 : i64, sc.parallel_access}
      %mul3A_294 = arith.constant 2 : i32
      %mul3A_295 = arith.muli %mul3A_294, %add3A_201 : i32
      %add3A_296 = arith.constant 1 : i32
      %add3A_297 = arith.addi %mul3A_295, %add3A_296 : i32
      %swap3A_298 = arith.index_cast %add3A_297 : i32 to index
      %swap3A_299 = arith.constant 0 : index
      %swap3A_300 = tpu.vector_load %arg10[%swap3A_298, %swap3A_299] {strides = array<i32>} : memref<128x128xf32, #tpu.memory_space<vmem>>, vector<1x16xf32>,
      %swap3A_301 = vector.shape_cast %swap3A_300 : vector<1x16xf32> to vector<16xf32>
      %swap3A_302 = vector.shape_cast %parallel_loop3A_293#0 : vector<16xf32> to vector<1x16xf32>
      tpu.vector_store %arg10[%swap3A_298, %swap3A_299], %swap3A_302 {strides = array<i32>} : memref<128x128xf32, #tpu.memory_space<vmem>>, vector<1x16xf32>,
      %swap3A_303 = arith.index_cast %add3A_297 : i32 to index
      %swap3A_304 = arith.constant 16 : index
      %swap3A_305 = tpu.vector_load %arg10[%swap3A_303, %swap3A_304] {strides = array<i32>} : memref<128x128xf32, #tpu.memory_space<vmem>>, vector<1x16xf32>,
      %swap3A_306 = vector.shape_cast %swap3A_305 : vector<1x16xf32> to vector<16xf32>
      %swap3A_307 = vector.shape_cast %parallel_loop3A_293#1 : vector<16xf32> to vector<1x16xf32>
      tpu.vector_store %arg10[%swap3A_303, %swap3A_304], %swap3A_307 {strides = array<i32>} : memref<128x128xf32, #tpu.memory_space<vmem>>, vector<1x16xf32>,
      %swap3A_308 = arith.index_cast %add3A_297 : i32 to index
      %swap3A_309 = arith.constant 32 : index
      %swap3A_310 = tpu.vector_load %arg10[%swap3A_308, %swap3A_309] {strides = array<i32>} : memref<128x128xf32, #tpu.memory_space<vmem>>, vector<1x16xf32>,
      %swap3A_311 = vector.shape_cast %swap3A_310 : vector<1x16xf32> to vector<16xf32>
      %swap3A_312 = vector.shape_cast %parallel_loop3A_293#2 : vector<16xf32> to vector<1x16xf32>
      tpu.vector_store %arg10[%swap3A_308, %swap3A_309], %swap3A_312 {strides = array<i32>} : memref<128x128xf32, #tpu.memory_space<vmem>>, vector<1x16xf32>,
      %swap3A_313 = arith.index_cast %add3A_297 : i32 to index
      %swap3A_314 = arith.constant 48 : index
      %swap3A_315 = tpu.vector_load %arg10[%swap3A_313, %swap3A_314] {strides = array<i32>} : memref<128x128xf32, #tpu.memory_space<vmem>>, vector<1x16xf32>,
      %swap3A_316 = vector.shape_cast %swap3A_315 : vector<1x16xf32> to vector<16xf32>
      %swap3A_317 = vector.shape_cast %parallel_loop3A_293#3 : vector<16xf32> to vector<1x16xf32>
      tpu.vector_store %arg10[%swap3A_313, %swap3A_314], %swap3A_317 {strides = array<i32>} : memref<128x128xf32, #tpu.memory_space<vmem>>, vector<1x16xf32>,
      %swap3A_318 = arith.index_cast %add3A_297 : i32 to index
      %swap3A_319 = arith.constant 64 : index
      %swap3A_320 = tpu.vector_load %arg10[%swap3A_318, %swap3A_319] {strides = array<i32>} : memref<128x128xf32, #tpu.memory_space<vmem>>, vector<1x16xf32>,
      %swap3A_321 = vector.shape_cast %swap3A_320 : vector<1x16xf32> to vector<16xf32>
      %swap3A_322 = vector.shape_cast %parallel_loop3A_293#4 : vector<16xf32> to vector<1x16xf32>
      tpu.vector_store %arg10[%swap3A_318, %swap3A_319], %swap3A_322 {strides = array<i32>} : memref<128x128xf32, #tpu.memory_space<vmem>>, vector<1x16xf32>,
      %swap3A_323 = arith.index_cast %add3A_297 : i32 to index
      %swap3A_324 = arith.constant 80 : index
      %swap3A_325 = tpu.vector_load %arg10[%swap3A_323, %swap3A_324] {strides = array<i32>} : memref<128x128xf32, #tpu.memory_space<vmem>>, vector<1x16xf32>,
      %swap3A_326 = vector.shape_cast %swap3A_325 : vector<1x16xf32> to vector<16xf32>
      %swap3A_327 = vector.shape_cast %parallel_loop3A_293#5 : vector<16xf32> to vector<1x16xf32>
      tpu.vector_store %arg10[%swap3A_323, %swap3A_324], %swap3A_327 {strides = array<i32>} : memref<128x128xf32, #tpu.memory_space<vmem>>, vector<1x16xf32>,
      %swap3A_328 = arith.index_cast %add3A_297 : i32 to index
      %swap3A_329 = arith.constant 96 : index
      %swap3A_330 = tpu.vector_load %arg10[%swap3A_328, %swap3A_329] {strides = array<i32>} : memref<128x128xf32, #tpu.memory_space<vmem>>, vector<1x16xf32>,
      %swap3A_331 = vector.shape_cast %swap3A_330 : vector<1x16xf32> to vector<16xf32>
      %swap3A_332 = vector.shape_cast %parallel_loop3A_293#6 : vector<16xf32> to vector<1x16xf32>
      tpu.vector_store %arg10[%swap3A_328, %swap3A_329], %swap3A_332 {strides = array<i32>} : memref<128x128xf32, #tpu.memory_space<vmem>>, vector<1x16xf32>,
      %swap3A_333 = arith.index_cast %add3A_297 : i32 to index
      %swap3A_334 = arith.constant 112 : index
      %swap3A_335 = tpu.vector_load %arg10[%swap3A_333, %swap3A_334] {strides = array<i32>} : memref<128x128xf32, #tpu.memory_space<vmem>>, vector<1x16xf32>,
      %swap3A_336 = vector.shape_cast %swap3A_335 : vector<1x16xf32> to vector<16xf32>
      %swap3A_337 = vector.shape_cast %parallel_loop3A_293#7 : vector<16xf32> to vector<1x16xf32>
      tpu.vector_store %arg10[%swap3A_333, %swap3A_334], %swap3A_337 {strides = array<i32>} : memref<128x128xf32, #tpu.memory_space<vmem>>, vector<1x16xf32>,
      %mul3A_338 = arith.constant 2 : i32
      %mul3A_339 = arith.muli %mul3A_338, %add3A_201 : i32
      %mul3A_340 = arith.constant 128 : i32
      %mul3A_341 = arith.muli %add3A, %mul3A_340 : i32
      %add3A_342 = arith.addi %mul3A_341, %mul3A_339 : i32
      %dma_start3A_343 = arith.constant 0 : i32
      %dma_start3A_344 = tpu.memref_slice %arg10[%mul3A_339, %dma_start3A_343] : memref<128x128xf32, #tpu.memory_space<vmem>> -> memref<2x128xf32, #tpu.memory_space<vmem>>
      %dma_start3A_345 = arith.constant 0 : i32
      %dma_start3A_346 = tpu.memref_slice %arg4[%add3A_342, %dma_start3A_345] : memref<4096x128xf32, #tpu.memory_space<hbm>> -> memref<2x128xf32, #tpu.memory_space<hbm>>
      %dma_start3A_347 = arith.constant 0 : i32
      %dma_start3A_348 = tpu.memref_slice %arg4[%add3A_342, %dma_start3A_347] : memref<4096x128xf32, #tpu.memory_space<hbm>> -> memref<2x128xf32, #tpu.memory_space<hbm>>
      %dma_start3A_349 = arith.constant 0 : i32
      %dma_start3A_350 = tpu.memref_slice %arg10[%mul3A_339, %dma_start3A_349] : memref<128x128xf32, #tpu.memory_space<vmem>> -> memref<2x128xf32, #tpu.memory_space<vmem>>
      tpu.enqueue_dma source(%dma_start3A_350 : memref<2x128xf32, #tpu.memory_space<vmem>>) target(%dma_start3A_348 : memref<2x128xf32, #tpu.memory_space<hbm>>) target_semaphore(%arg15 : memref<!tpu.dma_semaphore, #tpu.memory_space<semaphore_mem>>)
      %add3A_351 = arith.constant 4 : i32
      %add3A_352 = arith.addi %add3A_201, %add3A_351 : i32
      %lt3A_353 = arith.constant 64 : i32
      %lt3A_354 = arith.cmpi slt, %add3A_352, %lt3A_353 : i32
      %convert_element_type3A_355 = arith.extui %lt3A_354 : i1 to i32
      %cond3A_356 = arith.constant 0 : i32
      %cond3A_357 = arith.cmpi ne, %convert_element_type3A_355, %cond3A_356 : i32
      scf.if %cond3A_357 {
        %mul3A_681 = arith.constant 100 : i32
        %mul3A_682 = arith.muli %add3A_352, %mul3A_681 : i32
        %sub3A_683 = arith.constant 4 : i32
        %sub3A_684 = arith.subi %mul3A_682, %sub3A_683 : i32
        %multiple_of3A_685 = tpu.assume_multiple %sub3A_684, 8 : i32
        %dma_start3A_686 = tpu.memref_slice %arg5[%multiple_of3A_685] : memref<6400xi32, #tpu.memory_space<vmem>> -> memref<104xi32, #tpu.memory_space<vmem>>
        %dma_start3A_687 = arith.constant 0 : i32
        %dma_start3A_688 = arith.constant 0 : i32
        %dma_start3A_689 = tpu.memref_slice %arg2[%dma_start3A_687, %dma_start3A_688] : memref<100000x128xf32, #tpu.memory_space<hbm>> -> memref<100000x128xf32, #tpu.memory_space<hbm>>
        tpu.enqueue_indirect_dma source(%dma_start3A_689 : memref<100000x128xf32, #tpu.memory_space<hbm>>) target(%arg7 : memref<104x128xf32, #tpu.memory_space<vmem>>) offsets(%dma_start3A_686 : memref<104xi32, #tpu.memory_space<vmem>>) semaphore(%arg12 : memref<!tpu.dma_semaphore, #tpu.memory_space<semaphore_mem>>)
      } else {
      }
      %mul3A_358 = arith.constant 4 : i32
      %mul3A_359 = arith.muli %mul3A_358, %scan3A_41 : i32
      %add3A_360 = arith.constant 2 : i32
      %add3A_361 = arith.addi %mul3A_359, %add3A_360 : i32
      %mul3A_362 = arith.constant 100 : i32
      %mul3A_363 = arith.muli %add3A_361, %mul3A_362 : i32
      %multiple_of3A_364 = tpu.assume_multiple %mul3A_363, 8 : i32
      %dma_wait3A_365 = arith.constant 0 : i32
      %dma_wait3A_366 = arith.constant 0 : i32
      %dma_wait3A_367 = tpu.memref_slice %arg8[%dma_wait3A_365, %dma_wait3A_366] : memref<104x128xf32, #tpu.memory_space<vmem>> -> memref<100x128xf32, #tpu.memory_space<vmem>>
      %dma_wait3A_368 = tpu.memref_slice %arg5[%multiple_of3A_364] : memref<6400xi32, #tpu.memory_space<vmem>> -> memref<100xi32, #tpu.memory_space<vmem>>
      %dma_wait3A_369 = arith.constant 0 : i32
      %dma_wait3A_370 = arith.constant 0 : i32
      %dma_wait3A_371 = tpu.memref_slice %arg2[%dma_wait3A_369, %dma_wait3A_370] : memref<100000x128xf32, #tpu.memory_space<hbm>> -> memref<100000x128xf32, #tpu.memory_space<hbm>>
      tpu.wait_indirect_dma semaphore(%arg13 : memref<!tpu.dma_semaphore, #tpu.memory_space<semaphore_mem>>) src(%dma_wait3A_371 : memref<100000x128xf32, #tpu.memory_space<hbm>>) dst(%dma_wait3A_367 : memref<100x128xf32, #tpu.memory_space<vmem>>)
      %broadcast_in_dim3A_372 = arith.constant 0.000000e+00 : f32
      %broadcast_in_dim3A_373 = vector.broadcast %broadcast_in_dim3A_372 : f32 to vector<16xf32>
      %broadcast_in_dim3A_374 = arith.constant 0.000000e+00 : f32
      %broadcast_in_dim3A_375 = vector.broadcast %broadcast_in_dim3A_374 : f32 to vector<16xf32>
      %broadcast_in_dim3A_376 = arith.constant 0.000000e+00 : f32
      %broadcast_in_dim3A_377 = vector.broadcast %broadcast_in_dim3A_376 : f32 to vector<16xf32>
      %broadcast_in_dim3A_378 = arith.constant 0.000000e+00 : f32
      %broadcast_in_dim3A_379 = vector.broadcast %broadcast_in_dim3A_378 : f32 to vector<16xf32>
      %broadcast_in_dim3A_380 = arith.constant 0.000000e+00 : f32
      %broadcast_in_dim3A_381 = vector.broadcast %broadcast_in_dim3A_380 : f32 to vector<16xf32>
      %broadcast_in_dim3A_382 = arith.constant 0.000000e+00 : f32
      %broadcast_in_dim3A_383 = vector.broadcast %broadcast_in_dim3A_382 : f32 to vector<16xf32>
      %broadcast_in_dim3A_384 = arith.constant 0.000000e+00 : f32
      %broadcast_in_dim3A_385 = vector.broadcast %broadcast_in_dim3A_384 : f32 to vector<16xf32>
      %broadcast_in_dim3A_386 = arith.constant 0.000000e+00 : f32
      %broadcast_in_dim3A_387 = vector.broadcast %broadcast_in_dim3A_386 : f32 to vector<16xf32>
      %parallel_loop3A_388 = arith.constant 0 : i32
      %parallel_loop3A_389 = arith.constant 50 : i32
      %parallel_loop3A_390 = arith.constant 1 : i32
      %parallel_loop3A_391:8 = scf.for %parallel_loop3A_681 = %parallel_loop3A_388 to %parallel_loop3A_389 step %parallel_loop3A_390 iter_args(%parallel_loop3A_682 = %broadcast_in_dim3A_373, %parallel_loop3A_683 = %broadcast_in_dim3A_375, %parallel_loop3A_684 = %broadcast_in_dim3A_377, %parallel_loop3A_685 = %broadcast_in_dim3A_379, %parallel_loop3A_686 = %broadcast_in_dim3A_381, %parallel_loop3A_687 = %broadcast_in_dim3A_383, %parallel_loop3A_688 = %broadcast_in_dim3A_385, %parallel_loop3A_689 = %broadcast_in_dim3A_387) -> (vector<16xf32>, vector<16xf32>, vector<16xf32>, vector<16xf32>, vector<16xf32>, vector<16xf32>, vector<16xf32>, vector<16xf32>)  : i32 {
        %parallel_loop3A_690 = arith.index_cast %parallel_loop3A_681 : i32 to index
        %parallel_loop3A_691 = arith.constant 0 : index
        %parallel_loop3A_692 = tpu.vector_load %arg8[%parallel_loop3A_690, %parallel_loop3A_691] {strides = array<i32>} : memref<104x128xf32, #tpu.memory_space<vmem>>, vector<1x16xf32>,
        %parallel_loop3A_693 = vector.shape_cast %parallel_loop3A_692 : vector<1x16xf32> to vector<16xf32>
        %parallel_loop3A_694 = arith.addf %parallel_loop3A_682, %parallel_loop3A_693 : vector<16xf32>
        %parallel_loop3A_695 = arith.index_cast %parallel_loop3A_681 : i32 to index
        %parallel_loop3A_696 = arith.constant 16 : index
        %parallel_loop3A_697 = tpu.vector_load %arg8[%parallel_loop3A_695, %parallel_loop3A_696] {strides = array<i32>} : memref<104x128xf32, #tpu.memory_space<vmem>>, vector<1x16xf32>,
        %parallel_loop3A_698 = vector.shape_cast %parallel_loop3A_697 : vector<1x16xf32> to vector<16xf32>
        %parallel_loop3A_699 = arith.addf %parallel_loop3A_683, %parallel_loop3A_698 : vector<16xf32>
        %parallel_loop3A_700 = arith.index_cast %parallel_loop3A_681 : i32 to index
        %parallel_loop3A_701 = arith.constant 32 : index
        %parallel_loop3A_702 = tpu.vector_load %arg8[%parallel_loop3A_700, %parallel_loop3A_701] {strides = array<i32>} : memref<104x128xf32, #tpu.memory_space<vmem>>, vector<1x16xf32>,
        %parallel_loop3A_703 = vector.shape_cast %parallel_loop3A_702 : vector<1x16xf32> to vector<16xf32>
        %parallel_loop3A_704 = arith.addf %parallel_loop3A_684, %parallel_loop3A_703 : vector<16xf32>
        %parallel_loop3A_705 = arith.index_cast %parallel_loop3A_681 : i32 to index
        %parallel_loop3A_706 = arith.constant 48 : index
        %parallel_loop3A_707 = tpu.vector_load %arg8[%parallel_loop3A_705, %parallel_loop3A_706] {strides = array<i32>} : memref<104x128xf32, #tpu.memory_space<vmem>>, vector<1x16xf32>,
        %parallel_loop3A_708 = vector.shape_cast %parallel_loop3A_707 : vector<1x16xf32> to vector<16xf32>
        %parallel_loop3A_709 = arith.addf %parallel_loop3A_685, %parallel_loop3A_708 : vector<16xf32>
        %parallel_loop3A_710 = arith.index_cast %parallel_loop3A_681 : i32 to index
        %parallel_loop3A_711 = arith.constant 64 : index
        %parallel_loop3A_712 = tpu.vector_load %arg8[%parallel_loop3A_710, %parallel_loop3A_711] {strides = array<i32>} : memref<104x128xf32, #tpu.memory_space<vmem>>, vector<1x16xf32>,
        %parallel_loop3A_713 = vector.shape_cast %parallel_loop3A_712 : vector<1x16xf32> to vector<16xf32>
        %parallel_loop3A_714 = arith.addf %parallel_loop3A_686, %parallel_loop3A_713 : vector<16xf32>
        %parallel_loop3A_715 = arith.index_cast %parallel_loop3A_681 : i32 to index
        %parallel_loop3A_716 = arith.constant 80 : index
        %parallel_loop3A_717 = tpu.vector_load %arg8[%parallel_loop3A_715, %parallel_loop3A_716] {strides = array<i32>} : memref<104x128xf32, #tpu.memory_space<vmem>>, vector<1x16xf32>,
        %parallel_loop3A_718 = vector.shape_cast %parallel_loop3A_717 : vector<1x16xf32> to vector<16xf32>
        %parallel_loop3A_719 = arith.addf %parallel_loop3A_687, %parallel_loop3A_718 : vector<16xf32>
        %parallel_loop3A_720 = arith.index_cast %parallel_loop3A_681 : i32 to index
        %parallel_loop3A_721 = arith.constant 96 : index
        %parallel_loop3A_722 = tpu.vector_load %arg8[%parallel_loop3A_720, %parallel_loop3A_721] {strides = array<i32>} : memref<104x128xf32, #tpu.memory_space<vmem>>, vector<1x16xf32>,
        %parallel_loop3A_723 = vector.shape_cast %parallel_loop3A_722 : vector<1x16xf32> to vector<16xf32>
        %parallel_loop3A_724 = arith.addf %parallel_loop3A_688, %parallel_loop3A_723 : vector<16xf32>
        %parallel_loop3A_725 = arith.index_cast %parallel_loop3A_681 : i32 to index
        %parallel_loop3A_726 = arith.constant 112 : index
        %parallel_loop3A_727 = tpu.vector_load %arg8[%parallel_loop3A_725, %parallel_loop3A_726] {strides = array<i32>} : memref<104x128xf32, #tpu.memory_space<vmem>>, vector<1x16xf32>,
        %parallel_loop3A_728 = vector.shape_cast %parallel_loop3A_727 : vector<1x16xf32> to vector<16xf32>
        %parallel_loop3A_729 = arith.addf %parallel_loop3A_689, %parallel_loop3A_728 : vector<16xf32>
        scf.yield %parallel_loop3A_694, %parallel_loop3A_699, %parallel_loop3A_704, %parallel_loop3A_709, %parallel_loop3A_714, %parallel_loop3A_719, %parallel_loop3A_724, %parallel_loop3A_729 : vector<16xf32>, vector<16xf32>, vector<16xf32>, vector<16xf32>, vector<16xf32>, vector<16xf32>, vector<16xf32>, vector<16xf32>
      } {sc.loop_unroll_factor = 5 : i64, sc.parallel_access}
      %mul3A_392 = arith.constant 2 : i32
      %mul3A_393 = arith.muli %mul3A_392, %add3A_361 : i32
      %add3A_394 = arith.constant 0 : i32
      %add3A_395 = arith.addi %mul3A_393, %add3A_394 : i32
      %swap3A_396 = arith.index_cast %add3A_395 : i32 to index
      %swap3A_397 = arith.constant 0 : index
      %swap3A_398 = tpu.vector_load %arg10[%swap3A_396, %swap3A_397] {strides = array<i32>} : memref<128x128xf32, #tpu.memory_space<vmem>>, vector<1x16xf32>,
      %swap3A_399 = vector.shape_cast %swap3A_398 : vector<1x16xf32> to vector<16xf32>
      %swap3A_400 = vector.shape_cast %parallel_loop3A_391#0 : vector<16xf32> to vector<1x16xf32>
      tpu.vector_store %arg10[%swap3A_396, %swap3A_397], %swap3A_400 {strides = array<i32>} : memref<128x128xf32, #tpu.memory_space<vmem>>, vector<1x16xf32>,
      %swap3A_401 = arith.index_cast %add3A_395 : i32 to index
      %swap3A_402 = arith.constant 16 : index
      %swap3A_403 = tpu.vector_load %arg10[%swap3A_401, %swap3A_402] {strides = array<i32>} : memref<128x128xf32, #tpu.memory_space<vmem>>, vector<1x16xf32>,
      %swap3A_404 = vector.shape_cast %swap3A_403 : vector<1x16xf32> to vector<16xf32>
      %swap3A_405 = vector.shape_cast %parallel_loop3A_391#1 : vector<16xf32> to vector<1x16xf32>
      tpu.vector_store %arg10[%swap3A_401, %swap3A_402], %swap3A_405 {strides = array<i32>} : memref<128x128xf32, #tpu.memory_space<vmem>>, vector<1x16xf32>,
      %swap3A_406 = arith.index_cast %add3A_395 : i32 to index
      %swap3A_407 = arith.constant 32 : index
      %swap3A_408 = tpu.vector_load %arg10[%swap3A_406, %swap3A_407] {strides = array<i32>} : memref<128x128xf32, #tpu.memory_space<vmem>>, vector<1x16xf32>,
      %swap3A_409 = vector.shape_cast %swap3A_408 : vector<1x16xf32> to vector<16xf32>
      %swap3A_410 = vector.shape_cast %parallel_loop3A_391#2 : vector<16xf32> to vector<1x16xf32>
      tpu.vector_store %arg10[%swap3A_406, %swap3A_407], %swap3A_410 {strides = array<i32>} : memref<128x128xf32, #tpu.memory_space<vmem>>, vector<1x16xf32>,
      %swap3A_411 = arith.index_cast %add3A_395 : i32 to index
      %swap3A_412 = arith.constant 48 : index
      %swap3A_413 = tpu.vector_load %arg10[%swap3A_411, %swap3A_412] {strides = array<i32>} : memref<128x128xf32, #tpu.memory_space<vmem>>, vector<1x16xf32>,
      %swap3A_414 = vector.shape_cast %swap3A_413 : vector<1x16xf32> to vector<16xf32>
      %swap3A_415 = vector.shape_cast %parallel_loop3A_391#3 : vector<16xf32> to vector<1x16xf32>
      tpu.vector_store %arg10[%swap3A_411, %swap3A_412], %swap3A_415 {strides = array<i32>} : memref<128x128xf32, #tpu.memory_space<vmem>>, vector<1x16xf32>,
      %swap3A_416 = arith.index_cast %add3A_395 : i32 to index
      %swap3A_417 = arith.constant 64 : index
      %swap3A_418 = tpu.vector_load %arg10[%swap3A_416, %swap3A_417] {strides = array<i32>} : memref<128x128xf32, #tpu.memory_space<vmem>>, vector<1x16xf32>,
      %swap3A_419 = vector.shape_cast %swap3A_418 : vector<1x16xf32> to vector<16xf32>
      %swap3A_420 = vector.shape_cast %parallel_loop3A_391#4 : vector<16xf32> to vector<1x16xf32>
      tpu.vector_store %arg10[%swap3A_416, %swap3A_417], %swap3A_420 {strides = array<i32>} : memref<128x128xf32, #tpu.memory_space<vmem>>, vector<1x16xf32>,
      %swap3A_421 = arith.index_cast %add3A_395 : i32 to index
      %swap3A_422 = arith.constant 80 : index
      %swap3A_423 = tpu.vector_load %arg10[%swap3A_421, %swap3A_422] {strides = array<i32>} : memref<128x128xf32, #tpu.memory_space<vmem>>, vector<1x16xf32>,
      %swap3A_424 = vector.shape_cast %swap3A_423 : vector<1x16xf32> to vector<16xf32>
      %swap3A_425 = vector.shape_cast %parallel_loop3A_391#5 : vector<16xf32> to vector<1x16xf32>
      tpu.vector_store %arg10[%swap3A_421, %swap3A_422], %swap3A_425 {strides = array<i32>} : memref<128x128xf32, #tpu.memory_space<vmem>>, vector<1x16xf32>,
      %swap3A_426 = arith.index_cast %add3A_395 : i32 to index
      %swap3A_427 = arith.constant 96 : index
      %swap3A_428 = tpu.vector_load %arg10[%swap3A_426, %swap3A_427] {strides = array<i32>} : memref<128x128xf32, #tpu.memory_space<vmem>>, vector<1x16xf32>,
      %swap3A_429 = vector.shape_cast %swap3A_428 : vector<1x16xf32> to vector<16xf32>
      %swap3A_430 = vector.shape_cast %parallel_loop3A_391#6 : vector<16xf32> to vector<1x16xf32>
      tpu.vector_store %arg10[%swap3A_426, %swap3A_427], %swap3A_430 {strides = array<i32>} : memref<128x128xf32, #tpu.memory_space<vmem>>, vector<1x16xf32>,
      %swap3A_431 = arith.index_cast %add3A_395 : i32 to index
      %swap3A_432 = arith.constant 112 : index
      %swap3A_433 = tpu.vector_load %arg10[%swap3A_431, %swap3A_432] {strides = array<i32>} : memref<128x128xf32, #tpu.memory_space<vmem>>, vector<1x16xf32>,
      %swap3A_434 = vector.shape_cast %swap3A_433 : vector<1x16xf32> to vector<16xf32>
      %swap3A_435 = vector.shape_cast %parallel_loop3A_391#7 : vector<16xf32> to vector<1x16xf32>
      tpu.vector_store %arg10[%swap3A_431, %swap3A_432], %swap3A_435 {strides = array<i32>} : memref<128x128xf32, #tpu.memory_space<vmem>>, vector<1x16xf32>,
      %broadcast_in_dim3A_436 = arith.constant 0.000000e+00 : f32
      %broadcast_in_dim3A_437 = vector.broadcast %broadcast_in_dim3A_436 : f32 to vector<16xf32>
      %broadcast_in_dim3A_438 = arith.constant 0.000000e+00 : f32
      %broadcast_in_dim3A_439 = vector.broadcast %broadcast_in_dim3A_438 : f32 to vector<16xf32>
      %broadcast_in_dim3A_440 = arith.constant 0.000000e+00 : f32
      %broadcast_in_dim3A_441 = vector.broadcast %broadcast_in_dim3A_440 : f32 to vector<16xf32>
      %broadcast_in_dim3A_442 = arith.constant 0.000000e+00 : f32
      %broadcast_in_dim3A_443 = vector.broadcast %broadcast_in_dim3A_442 : f32 to vector<16xf32>
      %broadcast_in_dim3A_444 = arith.constant 0.000000e+00 : f32
      %broadcast_in_dim3A_445 = vector.broadcast %broadcast_in_dim3A_444 : f32 to vector<16xf32>
      %broadcast_in_dim3A_446 = arith.constant 0.000000e+00 : f32
      %broadcast_in_dim3A_447 = vector.broadcast %broadcast_in_dim3A_446 : f32 to vector<16xf32>
      %broadcast_in_dim3A_448 = arith.constant 0.000000e+00 : f32
      %broadcast_in_dim3A_449 = vector.broadcast %broadcast_in_dim3A_448 : f32 to vector<16xf32>
      %broadcast_in_dim3A_450 = arith.constant 0.000000e+00 : f32
      %broadcast_in_dim3A_451 = vector.broadcast %broadcast_in_dim3A_450 : f32 to vector<16xf32>
      %parallel_loop3A_452 = arith.constant 50 : i32
      %parallel_loop3A_453 = arith.constant 100 : i32
      %parallel_loop3A_454 = arith.constant 1 : i32
      %parallel_loop3A_455:8 = scf.for %parallel_loop3A_681 = %parallel_loop3A_452 to %parallel_loop3A_453 step %parallel_loop3A_454 iter_args(%parallel_loop3A_682 = %broadcast_in_dim3A_437, %parallel_loop3A_683 = %broadcast_in_dim3A_439, %parallel_loop3A_684 = %broadcast_in_dim3A_441, %parallel_loop3A_685 = %broadcast_in_dim3A_443, %parallel_loop3A_686 = %broadcast_in_dim3A_445, %parallel_loop3A_687 = %broadcast_in_dim3A_447, %parallel_loop3A_688 = %broadcast_in_dim3A_449, %parallel_loop3A_689 = %broadcast_in_dim3A_451) -> (vector<16xf32>, vector<16xf32>, vector<16xf32>, vector<16xf32>, vector<16xf32>, vector<16xf32>, vector<16xf32>, vector<16xf32>)  : i32 {
        %parallel_loop3A_690 = arith.index_cast %parallel_loop3A_681 : i32 to index
        %parallel_loop3A_691 = arith.constant 0 : index
        %parallel_loop3A_692 = tpu.vector_load %arg8[%parallel_loop3A_690, %parallel_loop3A_691] {strides = array<i32>} : memref<104x128xf32, #tpu.memory_space<vmem>>, vector<1x16xf32>,
        %parallel_loop3A_693 = vector.shape_cast %parallel_loop3A_692 : vector<1x16xf32> to vector<16xf32>
        %parallel_loop3A_694 = arith.addf %parallel_loop3A_682, %parallel_loop3A_693 : vector<16xf32>
        %parallel_loop3A_695 = arith.index_cast %parallel_loop3A_681 : i32 to index
        %parallel_loop3A_696 = arith.constant 16 : index
        %parallel_loop3A_697 = tpu.vector_load %arg8[%parallel_loop3A_695, %parallel_loop3A_696] {strides = array<i32>} : memref<104x128xf32, #tpu.memory_space<vmem>>, vector<1x16xf32>,
        %parallel_loop3A_698 = vector.shape_cast %parallel_loop3A_697 : vector<1x16xf32> to vector<16xf32>
        %parallel_loop3A_699 = arith.addf %parallel_loop3A_683, %parallel_loop3A_698 : vector<16xf32>
        %parallel_loop3A_700 = arith.index_cast %parallel_loop3A_681 : i32 to index
        %parallel_loop3A_701 = arith.constant 32 : index
        %parallel_loop3A_702 = tpu.vector_load %arg8[%parallel_loop3A_700, %parallel_loop3A_701] {strides = array<i32>} : memref<104x128xf32, #tpu.memory_space<vmem>>, vector<1x16xf32>,
        %parallel_loop3A_703 = vector.shape_cast %parallel_loop3A_702 : vector<1x16xf32> to vector<16xf32>
        %parallel_loop3A_704 = arith.addf %parallel_loop3A_684, %parallel_loop3A_703 : vector<16xf32>
        %parallel_loop3A_705 = arith.index_cast %parallel_loop3A_681 : i32 to index
        %parallel_loop3A_706 = arith.constant 48 : index
        %parallel_loop3A_707 = tpu.vector_load %arg8[%parallel_loop3A_705, %parallel_loop3A_706] {strides = array<i32>} : memref<104x128xf32, #tpu.memory_space<vmem>>, vector<1x16xf32>,
        %parallel_loop3A_708 = vector.shape_cast %parallel_loop3A_707 : vector<1x16xf32> to vector<16xf32>
        %parallel_loop3A_709 = arith.addf %parallel_loop3A_685, %parallel_loop3A_708 : vector<16xf32>
        %parallel_loop3A_710 = arith.index_cast %parallel_loop3A_681 : i32 to index
        %parallel_loop3A_711 = arith.constant 64 : index
        %parallel_loop3A_712 = tpu.vector_load %arg8[%parallel_loop3A_710, %parallel_loop3A_711] {strides = array<i32>} : memref<104x128xf32, #tpu.memory_space<vmem>>, vector<1x16xf32>,
        %parallel_loop3A_713 = vector.shape_cast %parallel_loop3A_712 : vector<1x16xf32> to vector<16xf32>
        %parallel_loop3A_714 = arith.addf %parallel_loop3A_686, %parallel_loop3A_713 : vector<16xf32>
        %parallel_loop3A_715 = arith.index_cast %parallel_loop3A_681 : i32 to index
        %parallel_loop3A_716 = arith.constant 80 : index
        %parallel_loop3A_717 = tpu.vector_load %arg8[%parallel_loop3A_715, %parallel_loop3A_716] {strides = array<i32>} : memref<104x128xf32, #tpu.memory_space<vmem>>, vector<1x16xf32>,
        %parallel_loop3A_718 = vector.shape_cast %parallel_loop3A_717 : vector<1x16xf32> to vector<16xf32>
        %parallel_loop3A_719 = arith.addf %parallel_loop3A_687, %parallel_loop3A_718 : vector<16xf32>
        %parallel_loop3A_720 = arith.index_cast %parallel_loop3A_681 : i32 to index
        %parallel_loop3A_721 = arith.constant 96 : index
        %parallel_loop3A_722 = tpu.vector_load %arg8[%parallel_loop3A_720, %parallel_loop3A_721] {strides = array<i32>} : memref<104x128xf32, #tpu.memory_space<vmem>>, vector<1x16xf32>,
        %parallel_loop3A_723 = vector.shape_cast %parallel_loop3A_722 : vector<1x16xf32> to vector<16xf32>
        %parallel_loop3A_724 = arith.addf %parallel_loop3A_688, %parallel_loop3A_723 : vector<16xf32>
        %parallel_loop3A_725 = arith.index_cast %parallel_loop3A_681 : i32 to index
        %parallel_loop3A_726 = arith.constant 112 : index
        %parallel_loop3A_727 = tpu.vector_load %arg8[%parallel_loop3A_725, %parallel_loop3A_726] {strides = array<i32>} : memref<104x128xf32, #tpu.memory_space<vmem>>, vector<1x16xf32>,
        %parallel_loop3A_728 = vector.shape_cast %parallel_loop3A_727 : vector<1x16xf32> to vector<16xf32>
        %parallel_loop3A_729 = arith.addf %parallel_loop3A_689, %parallel_loop3A_728 : vector<16xf32>
        scf.yield %parallel_loop3A_694, %parallel_loop3A_699, %parallel_loop3A_704, %parallel_loop3A_709, %parallel_loop3A_714, %parallel_loop3A_719, %parallel_loop3A_724, %parallel_loop3A_729 : vector<16xf32>, vector<16xf32>, vector<16xf32>, vector<16xf32>, vector<16xf32>, vector<16xf32>, vector<16xf32>, vector<16xf32>
      } {sc.loop_unroll_factor = 5 : i64, sc.parallel_access}
      %mul3A_456 = arith.constant 2 : i32
      %mul3A_457 = arith.muli %mul3A_456, %add3A_361 : i32
      %add3A_458 = arith.constant 1 : i32
      %add3A_459 = arith.addi %mul3A_457, %add3A_458 : i32
      %swap3A_460 = arith.index_cast %add3A_459 : i32 to index
      %swap3A_461 = arith.constant 0 : index
      %swap3A_462 = tpu.vector_load %arg10[%swap3A_460, %swap3A_461] {strides = array<i32>} : memref<128x128xf32, #tpu.memory_space<vmem>>, vector<1x16xf32>,
      %swap3A_463 = vector.shape_cast %swap3A_462 : vector<1x16xf32> to vector<16xf32>
      %swap3A_464 = vector.shape_cast %parallel_loop3A_455#0 : vector<16xf32> to vector<1x16xf32>
      tpu.vector_store %arg10[%swap3A_460, %swap3A_461], %swap3A_464 {strides = array<i32>} : memref<128x128xf32, #tpu.memory_space<vmem>>, vector<1x16xf32>,
      %swap3A_465 = arith.index_cast %add3A_459 : i32 to index
      %swap3A_466 = arith.constant 16 : index
      %swap3A_467 = tpu.vector_load %arg10[%swap3A_465, %swap3A_466] {strides = array<i32>} : memref<128x128xf32, #tpu.memory_space<vmem>>, vector<1x16xf32>,
      %swap3A_468 = vector.shape_cast %swap3A_467 : vector<1x16xf32> to vector<16xf32>
      %swap3A_469 = vector.shape_cast %parallel_loop3A_455#1 : vector<16xf32> to vector<1x16xf32>
      tpu.vector_store %arg10[%swap3A_465, %swap3A_466], %swap3A_469 {strides = array<i32>} : memref<128x128xf32, #tpu.memory_space<vmem>>, vector<1x16xf32>,
      %swap3A_470 = arith.index_cast %add3A_459 : i32 to index
      %swap3A_471 = arith.constant 32 : index
      %swap3A_472 = tpu.vector_load %arg10[%swap3A_470, %swap3A_471] {strides = array<i32>} : memref<128x128xf32, #tpu.memory_space<vmem>>, vector<1x16xf32>,
      %swap3A_473 = vector.shape_cast %swap3A_472 : vector<1x16xf32> to vector<16xf32>
      %swap3A_474 = vector.shape_cast %parallel_loop3A_455#2 : vector<16xf32> to vector<1x16xf32>
      tpu.vector_store %arg10[%swap3A_470, %swap3A_471], %swap3A_474 {strides = array<i32>} : memref<128x128xf32, #tpu.memory_space<vmem>>, vector<1x16xf32>,
      %swap3A_475 = arith.index_cast %add3A_459 : i32 to index
      %swap3A_476 = arith.constant 48 : index
      %swap3A_477 = tpu.vector_load %arg10[%swap3A_475, %swap3A_476] {strides = array<i32>} : memref<128x128xf32, #tpu.memory_space<vmem>>, vector<1x16xf32>,
      %swap3A_478 = vector.shape_cast %swap3A_477 : vector<1x16xf32> to vector<16xf32>
      %swap3A_479 = vector.shape_cast %parallel_loop3A_455#3 : vector<16xf32> to vector<1x16xf32>
      tpu.vector_store %arg10[%swap3A_475, %swap3A_476], %swap3A_479 {strides = array<i32>} : memref<128x128xf32, #tpu.memory_space<vmem>>, vector<1x16xf32>,
      %swap3A_480 = arith.index_cast %add3A_459 : i32 to index
      %swap3A_481 = arith.constant 64 : index
      %swap3A_482 = tpu.vector_load %arg10[%swap3A_480, %swap3A_481] {strides = array<i32>} : memref<128x128xf32, #tpu.memory_space<vmem>>, vector<1x16xf32>,
      %swap3A_483 = vector.shape_cast %swap3A_482 : vector<1x16xf32> to vector<16xf32>
      %swap3A_484 = vector.shape_cast %parallel_loop3A_455#4 : vector<16xf32> to vector<1x16xf32>
      tpu.vector_store %arg10[%swap3A_480, %swap3A_481], %swap3A_484 {strides = array<i32>} : memref<128x128xf32, #tpu.memory_space<vmem>>, vector<1x16xf32>,
      %swap3A_485 = arith.index_cast %add3A_459 : i32 to index
      %swap3A_486 = arith.constant 80 : index
      %swap3A_487 = tpu.vector_load %arg10[%swap3A_485, %swap3A_486] {strides = array<i32>} : memref<128x128xf32, #tpu.memory_space<vmem>>, vector<1x16xf32>,
      %swap3A_488 = vector.shape_cast %swap3A_487 : vector<1x16xf32> to vector<16xf32>
      %swap3A_489 = vector.shape_cast %parallel_loop3A_455#5 : vector<16xf32> to vector<1x16xf32>
      tpu.vector_store %arg10[%swap3A_485, %swap3A_486], %swap3A_489 {strides = array<i32>} : memref<128x128xf32, #tpu.memory_space<vmem>>, vector<1x16xf32>,
      %swap3A_490 = arith.index_cast %add3A_459 : i32 to index
      %swap3A_491 = arith.constant 96 : index
      %swap3A_492 = tpu.vector_load %arg10[%swap3A_490, %swap3A_491] {strides = array<i32>} : memref<128x128xf32, #tpu.memory_space<vmem>>, vector<1x16xf32>,
      %swap3A_493 = vector.shape_cast %swap3A_492 : vector<1x16xf32> to vector<16xf32>
      %swap3A_494 = vector.shape_cast %parallel_loop3A_455#6 : vector<16xf32> to vector<1x16xf32>
      tpu.vector_store %arg10[%swap3A_490, %swap3A_491], %swap3A_494 {strides = array<i32>} : memref<128x128xf32, #tpu.memory_space<vmem>>, vector<1x16xf32>,
      %swap3A_495 = arith.index_cast %add3A_459 : i32 to index
      %swap3A_496 = arith.constant 112 : index
      %swap3A_497 = tpu.vector_load %arg10[%swap3A_495, %swap3A_496] {strides = array<i32>} : memref<128x128xf32, #tpu.memory_space<vmem>>, vector<1x16xf32>,
      %swap3A_498 = vector.shape_cast %swap3A_497 : vector<1x16xf32> to vector<16xf32>
      %swap3A_499 = vector.shape_cast %parallel_loop3A_455#7 : vector<16xf32> to vector<1x16xf32>
      tpu.vector_store %arg10[%swap3A_495, %swap3A_496], %swap3A_499 {strides = array<i32>} : memref<128x128xf32, #tpu.memory_space<vmem>>, vector<1x16xf32>,
      %mul3A_500 = arith.constant 2 : i32
      %mul3A_501 = arith.muli %mul3A_500, %add3A_361 : i32
      %mul3A_502 = arith.constant 128 : i32
      %mul3A_503 = arith.muli %add3A, %mul3A_502 : i32
      %add3A_504 = arith.addi %mul3A_503, %mul3A_501 : i32
      %dma_start3A_505 = arith.constant 0 : i32
      %dma_start3A_506 = tpu.memref_slice %arg10[%mul3A_501, %dma_start3A_505] : memref<128x128xf32, #tpu.memory_space<vmem>> -> memref<2x128xf32, #tpu.memory_space<vmem>>
      %dma_start3A_507 = arith.constant 0 : i32
      %dma_start3A_508 = tpu.memref_slice %arg4[%add3A_504, %dma_start3A_507] : memref<4096x128xf32, #tpu.memory_space<hbm>> -> memref<2x128xf32, #tpu.memory_space<hbm>>
      %dma_start3A_509 = arith.constant 0 : i32
      %dma_start3A_510 = tpu.memref_slice %arg4[%add3A_504, %dma_start3A_509] : memref<4096x128xf32, #tpu.memory_space<hbm>> -> memref<2x128xf32, #tpu.memory_space<hbm>>
      %dma_start3A_511 = arith.constant 0 : i32
      %dma_start3A_512 = tpu.memref_slice %arg10[%mul3A_501, %dma_start3A_511] : memref<128x128xf32, #tpu.memory_space<vmem>> -> memref<2x128xf32, #tpu.memory_space<vmem>>
      tpu.enqueue_dma source(%dma_start3A_512 : memref<2x128xf32, #tpu.memory_space<vmem>>) target(%dma_start3A_510 : memref<2x128xf32, #tpu.memory_space<hbm>>) target_semaphore(%arg15 : memref<!tpu.dma_semaphore, #tpu.memory_space<semaphore_mem>>)
      %add3A_513 = arith.constant 4 : i32
      %add3A_514 = arith.addi %add3A_361, %add3A_513 : i32
      %lt3A_515 = arith.constant 64 : i32
      %lt3A_516 = arith.cmpi slt, %add3A_514, %lt3A_515 : i32
      %convert_element_type3A_517 = arith.extui %lt3A_516 : i1 to i32
      %cond3A_518 = arith.constant 0 : i32
      %cond3A_519 = arith.cmpi ne, %convert_element_type3A_517, %cond3A_518 : i32
      scf.if %cond3A_519 {
        %mul3A_681 = arith.constant 100 : i32
        %mul3A_682 = arith.muli %add3A_514, %mul3A_681 : i32
        %multiple_of3A_683 = tpu.assume_multiple %mul3A_682, 8 : i32
        %dma_start3A_684 = arith.constant 0 : i32
        %dma_start3A_685 = arith.constant 0 : i32
        %dma_start3A_686 = tpu.memref_slice %arg8[%dma_start3A_684, %dma_start3A_685] : memref<104x128xf32, #tpu.memory_space<vmem>> -> memref<100x128xf32, #tpu.memory_space<vmem>>
        %dma_start3A_687 = tpu.memref_slice %arg5[%multiple_of3A_683] : memref<6400xi32, #tpu.memory_space<vmem>> -> memref<100xi32, #tpu.memory_space<vmem>>
        %dma_start3A_688 = arith.constant 0 : i32
        %dma_start3A_689 = arith.constant 0 : i32
        %dma_start3A_690 = tpu.memref_slice %arg2[%dma_start3A_688, %dma_start3A_689] : memref<100000x128xf32, #tpu.memory_space<hbm>> -> memref<100000x128xf32, #tpu.memory_space<hbm>>
        tpu.enqueue_indirect_dma source(%dma_start3A_690 : memref<100000x128xf32, #tpu.memory_space<hbm>>) target(%dma_start3A_686 : memref<100x128xf32, #tpu.memory_space<vmem>>) offsets(%dma_start3A_687 : memref<100xi32, #tpu.memory_space<vmem>>) semaphore(%arg13 : memref<!tpu.dma_semaphore, #tpu.memory_space<semaphore_mem>>)
      } else {
      }
      %mul3A_520 = arith.constant 4 : i32
      %mul3A_521 = arith.muli %mul3A_520, %scan3A_41 : i32
      %add3A_522 = arith.constant 3 : i32
      %add3A_523 = arith.addi %mul3A_521, %add3A_522 : i32
      %mul3A_524 = arith.constant 100 : i32
      %mul3A_525 = arith.muli %add3A_523, %mul3A_524 : i32
      %sub3A_526 = arith.constant 4 : i32
      %sub3A_527 = arith.subi %mul3A_525, %sub3A_526 : i32
      %multiple_of3A_528 = tpu.assume_multiple %sub3A_527, 8 : i32
      %dma_wait3A_529 = tpu.memref_slice %arg5[%multiple_of3A_528] : memref<6400xi32, #tpu.memory_space<vmem>> -> memref<104xi32, #tpu.memory_space<vmem>>
      %dma_wait3A_530 = arith.constant 0 : i32
      %dma_wait3A_531 = arith.constant 0 : i32
      %dma_wait3A_532 = tpu.memref_slice %arg2[%dma_wait3A_530, %dma_wait3A_531] : memref<100000x128xf32, #tpu.memory_space<hbm>> -> memref<100000x128xf32, #tpu.memory_space<hbm>>
      tpu.wait_indirect_dma semaphore(%arg14 : memref<!tpu.dma_semaphore, #tpu.memory_space<semaphore_mem>>) src(%dma_wait3A_532 : memref<100000x128xf32, #tpu.memory_space<hbm>>) dst(%arg9 : memref<104x128xf32, #tpu.memory_space<vmem>>)
      %broadcast_in_dim3A_533 = arith.constant 0.000000e+00 : f32
      %broadcast_in_dim3A_534 = vector.broadcast %broadcast_in_dim3A_533 : f32 to vector<16xf32>
      %broadcast_in_dim3A_535 = arith.constant 0.000000e+00 : f32
      %broadcast_in_dim3A_536 = vector.broadcast %broadcast_in_dim3A_535 : f32 to vector<16xf32>
      %broadcast_in_dim3A_537 = arith.constant 0.000000e+00 : f32
      %broadcast_in_dim3A_538 = vector.broadcast %broadcast_in_dim3A_537 : f32 to vector<16xf32>
      %broadcast_in_dim3A_539 = arith.constant 0.000000e+00 : f32
      %broadcast_in_dim3A_540 = vector.broadcast %broadcast_in_dim3A_539 : f32 to vector<16xf32>
      %broadcast_in_dim3A_541 = arith.constant 0.000000e+00 : f32
      %broadcast_in_dim3A_542 = vector.broadcast %broadcast_in_dim3A_541 : f32 to vector<16xf32>
      %broadcast_in_dim3A_543 = arith.constant 0.000000e+00 : f32
      %broadcast_in_dim3A_544 = vector.broadcast %broadcast_in_dim3A_543 : f32 to vector<16xf32>
      %broadcast_in_dim3A_545 = arith.constant 0.000000e+00 : f32
      %broadcast_in_dim3A_546 = vector.broadcast %broadcast_in_dim3A_545 : f32 to vector<16xf32>
      %broadcast_in_dim3A_547 = arith.constant 0.000000e+00 : f32
      %broadcast_in_dim3A_548 = vector.broadcast %broadcast_in_dim3A_547 : f32 to vector<16xf32>
      %parallel_loop3A_549 = arith.constant 4 : i32
      %parallel_loop3A_550 = arith.constant 54 : i32
      %parallel_loop3A_551 = arith.constant 1 : i32
      %parallel_loop3A_552:8 = scf.for %parallel_loop3A_681 = %parallel_loop3A_549 to %parallel_loop3A_550 step %parallel_loop3A_551 iter_args(%parallel_loop3A_682 = %broadcast_in_dim3A_534, %parallel_loop3A_683 = %broadcast_in_dim3A_536, %parallel_loop3A_684 = %broadcast_in_dim3A_538, %parallel_loop3A_685 = %broadcast_in_dim3A_540, %parallel_loop3A_686 = %broadcast_in_dim3A_542, %parallel_loop3A_687 = %broadcast_in_dim3A_544, %parallel_loop3A_688 = %broadcast_in_dim3A_546, %parallel_loop3A_689 = %broadcast_in_dim3A_548) -> (vector<16xf32>, vector<16xf32>, vector<16xf32>, vector<16xf32>, vector<16xf32>, vector<16xf32>, vector<16xf32>, vector<16xf32>)  : i32 {
        %parallel_loop3A_690 = arith.index_cast %parallel_loop3A_681 : i32 to index
        %parallel_loop3A_691 = arith.constant 0 : index
        %parallel_loop3A_692 = tpu.vector_load %arg9[%parallel_loop3A_690, %parallel_loop3A_691] {strides = array<i32>} : memref<104x128xf32, #tpu.memory_space<vmem>>, vector<1x16xf32>,
        %parallel_loop3A_693 = vector.shape_cast %parallel_loop3A_692 : vector<1x16xf32> to vector<16xf32>
        %parallel_loop3A_694 = arith.addf %parallel_loop3A_682, %parallel_loop3A_693 : vector<16xf32>
        %parallel_loop3A_695 = arith.index_cast %parallel_loop3A_681 : i32 to index
        %parallel_loop3A_696 = arith.constant 16 : index
        %parallel_loop3A_697 = tpu.vector_load %arg9[%parallel_loop3A_695, %parallel_loop3A_696] {strides = array<i32>} : memref<104x128xf32, #tpu.memory_space<vmem>>, vector<1x16xf32>,
        %parallel_loop3A_698 = vector.shape_cast %parallel_loop3A_697 : vector<1x16xf32> to vector<16xf32>
        %parallel_loop3A_699 = arith.addf %parallel_loop3A_683, %parallel_loop3A_698 : vector<16xf32>
        %parallel_loop3A_700 = arith.index_cast %parallel_loop3A_681 : i32 to index
        %parallel_loop3A_701 = arith.constant 32 : index
        %parallel_loop3A_702 = tpu.vector_load %arg9[%parallel_loop3A_700, %parallel_loop3A_701] {strides = array<i32>} : memref<104x128xf32, #tpu.memory_space<vmem>>, vector<1x16xf32>,
        %parallel_loop3A_703 = vector.shape_cast %parallel_loop3A_702 : vector<1x16xf32> to vector<16xf32>
        %parallel_loop3A_704 = arith.addf %parallel_loop3A_684, %parallel_loop3A_703 : vector<16xf32>
        %parallel_loop3A_705 = arith.index_cast %parallel_loop3A_681 : i32 to index
        %parallel_loop3A_706 = arith.constant 48 : index
        %parallel_loop3A_707 = tpu.vector_load %arg9[%parallel_loop3A_705, %parallel_loop3A_706] {strides = array<i32>} : memref<104x128xf32, #tpu.memory_space<vmem>>, vector<1x16xf32>,
        %parallel_loop3A_708 = vector.shape_cast %parallel_loop3A_707 : vector<1x16xf32> to vector<16xf32>
        %parallel_loop3A_709 = arith.addf %parallel_loop3A_685, %parallel_loop3A_708 : vector<16xf32>
        %parallel_loop3A_710 = arith.index_cast %parallel_loop3A_681 : i32 to index
        %parallel_loop3A_711 = arith.constant 64 : index
        %parallel_loop3A_712 = tpu.vector_load %arg9[%parallel_loop3A_710, %parallel_loop3A_711] {strides = array<i32>} : memref<104x128xf32, #tpu.memory_space<vmem>>, vector<1x16xf32>,
        %parallel_loop3A_713 = vector.shape_cast %parallel_loop3A_712 : vector<1x16xf32> to vector<16xf32>
        %parallel_loop3A_714 = arith.addf %parallel_loop3A_686, %parallel_loop3A_713 : vector<16xf32>
        %parallel_loop3A_715 = arith.index_cast %parallel_loop3A_681 : i32 to index
        %parallel_loop3A_716 = arith.constant 80 : index
        %parallel_loop3A_717 = tpu.vector_load %arg9[%parallel_loop3A_715, %parallel_loop3A_716] {strides = array<i32>} : memref<104x128xf32, #tpu.memory_space<vmem>>, vector<1x16xf32>,
        %parallel_loop3A_718 = vector.shape_cast %parallel_loop3A_717 : vector<1x16xf32> to vector<16xf32>
        %parallel_loop3A_719 = arith.addf %parallel_loop3A_687, %parallel_loop3A_718 : vector<16xf32>
        %parallel_loop3A_720 = arith.index_cast %parallel_loop3A_681 : i32 to index
        %parallel_loop3A_721 = arith.constant 96 : index
        %parallel_loop3A_722 = tpu.vector_load %arg9[%parallel_loop3A_720, %parallel_loop3A_721] {strides = array<i32>} : memref<104x128xf32, #tpu.memory_space<vmem>>, vector<1x16xf32>,
        %parallel_loop3A_723 = vector.shape_cast %parallel_loop3A_722 : vector<1x16xf32> to vector<16xf32>
        %parallel_loop3A_724 = arith.addf %parallel_loop3A_688, %parallel_loop3A_723 : vector<16xf32>
        %parallel_loop3A_725 = arith.index_cast %parallel_loop3A_681 : i32 to index
        %parallel_loop3A_726 = arith.constant 112 : index
        %parallel_loop3A_727 = tpu.vector_load %arg9[%parallel_loop3A_725, %parallel_loop3A_726] {strides = array<i32>} : memref<104x128xf32, #tpu.memory_space<vmem>>, vector<1x16xf32>,
        %parallel_loop3A_728 = vector.shape_cast %parallel_loop3A_727 : vector<1x16xf32> to vector<16xf32>
        %parallel_loop3A_729 = arith.addf %parallel_loop3A_689, %parallel_loop3A_728 : vector<16xf32>
        scf.yield %parallel_loop3A_694, %parallel_loop3A_699, %parallel_loop3A_704, %parallel_loop3A_709, %parallel_loop3A_714, %parallel_loop3A_719, %parallel_loop3A_724, %parallel_loop3A_729 : vector<16xf32>, vector<16xf32>, vector<16xf32>, vector<16xf32>, vector<16xf32>, vector<16xf32>, vector<16xf32>, vector<16xf32>
      } {sc.loop_unroll_factor = 5 : i64, sc.parallel_access}
      %mul3A_553 = arith.constant 2 : i32
      %mul3A_554 = arith.muli %mul3A_553, %add3A_523 : i32
      %add3A_555 = arith.constant 0 : i32
      %add3A_556 = arith.addi %mul3A_554, %add3A_555 : i32
      %swap3A_557 = arith.index_cast %add3A_556 : i32 to index
      %swap3A_558 = arith.constant 0 : index
      %swap3A_559 = tpu.vector_load %arg10[%swap3A_557, %swap3A_558] {strides = array<i32>} : memref<128x128xf32, #tpu.memory_space<vmem>>, vector<1x16xf32>,
      %swap3A_560 = vector.shape_cast %swap3A_559 : vector<1x16xf32> to vector<16xf32>
      %swap3A_561 = vector.shape_cast %parallel_loop3A_552#0 : vector<16xf32> to vector<1x16xf32>
      tpu.vector_store %arg10[%swap3A_557, %swap3A_558], %swap3A_561 {strides = array<i32>} : memref<128x128xf32, #tpu.memory_space<vmem>>, vector<1x16xf32>,
      %swap3A_562 = arith.index_cast %add3A_556 : i32 to index
      %swap3A_563 = arith.constant 16 : index
      %swap3A_564 = tpu.vector_load %arg10[%swap3A_562, %swap3A_563] {strides = array<i32>} : memref<128x128xf32, #tpu.memory_space<vmem>>, vector<1x16xf32>,
      %swap3A_565 = vector.shape_cast %swap3A_564 : vector<1x16xf32> to vector<16xf32>
      %swap3A_566 = vector.shape_cast %parallel_loop3A_552#1 : vector<16xf32> to vector<1x16xf32>
      tpu.vector_store %arg10[%swap3A_562, %swap3A_563], %swap3A_566 {strides = array<i32>} : memref<128x128xf32, #tpu.memory_space<vmem>>, vector<1x16xf32>,
      %swap3A_567 = arith.index_cast %add3A_556 : i32 to index
      %swap3A_568 = arith.constant 32 : index
      %swap3A_569 = tpu.vector_load %arg10[%swap3A_567, %swap3A_568] {strides = array<i32>} : memref<128x128xf32, #tpu.memory_space<vmem>>, vector<1x16xf32>,
      %swap3A_570 = vector.shape_cast %swap3A_569 : vector<1x16xf32> to vector<16xf32>
      %swap3A_571 = vector.shape_cast %parallel_loop3A_552#2 : vector<16xf32> to vector<1x16xf32>
      tpu.vector_store %arg10[%swap3A_567, %swap3A_568], %swap3A_571 {strides = array<i32>} : memref<128x128xf32, #tpu.memory_space<vmem>>, vector<1x16xf32>,
      %swap3A_572 = arith.index_cast %add3A_556 : i32 to index
      %swap3A_573 = arith.constant 48 : index
      %swap3A_574 = tpu.vector_load %arg10[%swap3A_572, %swap3A_573] {strides = array<i32>} : memref<128x128xf32, #tpu.memory_space<vmem>>, vector<1x16xf32>,
      %swap3A_575 = vector.shape_cast %swap3A_574 : vector<1x16xf32> to vector<16xf32>
      %swap3A_576 = vector.shape_cast %parallel_loop3A_552#3 : vector<16xf32> to vector<1x16xf32>
      tpu.vector_store %arg10[%swap3A_572, %swap3A_573], %swap3A_576 {strides = array<i32>} : memref<128x128xf32, #tpu.memory_space<vmem>>, vector<1x16xf32>,
      %swap3A_577 = arith.index_cast %add3A_556 : i32 to index
      %swap3A_578 = arith.constant 64 : index
      %swap3A_579 = tpu.vector_load %arg10[%swap3A_577, %swap3A_578] {strides = array<i32>} : memref<128x128xf32, #tpu.memory_space<vmem>>, vector<1x16xf32>,
      %swap3A_580 = vector.shape_cast %swap3A_579 : vector<1x16xf32> to vector<16xf32>
      %swap3A_581 = vector.shape_cast %parallel_loop3A_552#4 : vector<16xf32> to vector<1x16xf32>
      tpu.vector_store %arg10[%swap3A_577, %swap3A_578], %swap3A_581 {strides = array<i32>} : memref<128x128xf32, #tpu.memory_space<vmem>>, vector<1x16xf32>,
      %swap3A_582 = arith.index_cast %add3A_556 : i32 to index
      %swap3A_583 = arith.constant 80 : index
      %swap3A_584 = tpu.vector_load %arg10[%swap3A_582, %swap3A_583] {strides = array<i32>} : memref<128x128xf32, #tpu.memory_space<vmem>>, vector<1x16xf32>,
      %swap3A_585 = vector.shape_cast %swap3A_584 : vector<1x16xf32> to vector<16xf32>
      %swap3A_586 = vector.shape_cast %parallel_loop3A_552#5 : vector<16xf32> to vector<1x16xf32>
      tpu.vector_store %arg10[%swap3A_582, %swap3A_583], %swap3A_586 {strides = array<i32>} : memref<128x128xf32, #tpu.memory_space<vmem>>, vector<1x16xf32>,
      %swap3A_587 = arith.index_cast %add3A_556 : i32 to index
      %swap3A_588 = arith.constant 96 : index
      %swap3A_589 = tpu.vector_load %arg10[%swap3A_587, %swap3A_588] {strides = array<i32>} : memref<128x128xf32, #tpu.memory_space<vmem>>, vector<1x16xf32>,
      %swap3A_590 = vector.shape_cast %swap3A_589 : vector<1x16xf32> to vector<16xf32>
      %swap3A_591 = vector.shape_cast %parallel_loop3A_552#6 : vector<16xf32> to vector<1x16xf32>
      tpu.vector_store %arg10[%swap3A_587, %swap3A_588], %swap3A_591 {strides = array<i32>} : memref<128x128xf32, #tpu.memory_space<vmem>>, vector<1x16xf32>,
      %swap3A_592 = arith.index_cast %add3A_556 : i32 to index
      %swap3A_593 = arith.constant 112 : index
      %swap3A_594 = tpu.vector_load %arg10[%swap3A_592, %swap3A_593] {strides = array<i32>} : memref<128x128xf32, #tpu.memory_space<vmem>>, vector<1x16xf32>,
      %swap3A_595 = vector.shape_cast %swap3A_594 : vector<1x16xf32> to vector<16xf32>
      %swap3A_596 = vector.shape_cast %parallel_loop3A_552#7 : vector<16xf32> to vector<1x16xf32>
      tpu.vector_store %arg10[%swap3A_592, %swap3A_593], %swap3A_596 {strides = array<i32>} : memref<128x128xf32, #tpu.memory_space<vmem>>, vector<1x16xf32>,
      %broadcast_in_dim3A_597 = arith.constant 0.000000e+00 : f32
      %broadcast_in_dim3A_598 = vector.broadcast %broadcast_in_dim3A_597 : f32 to vector<16xf32>
      %broadcast_in_dim3A_599 = arith.constant 0.000000e+00 : f32
      %broadcast_in_dim3A_600 = vector.broadcast %broadcast_in_dim3A_599 : f32 to vector<16xf32>
      %broadcast_in_dim3A_601 = arith.constant 0.000000e+00 : f32
      %broadcast_in_dim3A_602 = vector.broadcast %broadcast_in_dim3A_601 : f32 to vector<16xf32>
      %broadcast_in_dim3A_603 = arith.constant 0.000000e+00 : f32
      %broadcast_in_dim3A_604 = vector.broadcast %broadcast_in_dim3A_603 : f32 to vector<16xf32>
      %broadcast_in_dim3A_605 = arith.constant 0.000000e+00 : f32
      %broadcast_in_dim3A_606 = vector.broadcast %broadcast_in_dim3A_605 : f32 to vector<16xf32>
      %broadcast_in_dim3A_607 = arith.constant 0.000000e+00 : f32
      %broadcast_in_dim3A_608 = vector.broadcast %broadcast_in_dim3A_607 : f32 to vector<16xf32>
      %broadcast_in_dim3A_609 = arith.constant 0.000000e+00 : f32
      %broadcast_in_dim3A_610 = vector.broadcast %broadcast_in_dim3A_609 : f32 to vector<16xf32>
      %broadcast_in_dim3A_611 = arith.constant 0.000000e+00 : f32
      %broadcast_in_dim3A_612 = vector.broadcast %broadcast_in_dim3A_611 : f32 to vector<16xf32>
      %parallel_loop3A_613 = arith.constant 54 : i32
      %parallel_loop3A_614 = arith.constant 104 : i32
      %parallel_loop3A_615 = arith.constant 1 : i32
      %parallel_loop3A_616:8 = scf.for %parallel_loop3A_681 = %parallel_loop3A_613 to %parallel_loop3A_614 step %parallel_loop3A_615 iter_args(%parallel_loop3A_682 = %broadcast_in_dim3A_598, %parallel_loop3A_683 = %broadcast_in_dim3A_600, %parallel_loop3A_684 = %broadcast_in_dim3A_602, %parallel_loop3A_685 = %broadcast_in_dim3A_604, %parallel_loop3A_686 = %broadcast_in_dim3A_606, %parallel_loop3A_687 = %broadcast_in_dim3A_608, %parallel_loop3A_688 = %broadcast_in_dim3A_610, %parallel_loop3A_689 = %broadcast_in_dim3A_612) -> (vector<16xf32>, vector<16xf32>, vector<16xf32>, vector<16xf32>, vector<16xf32>, vector<16xf32>, vector<16xf32>, vector<16xf32>)  : i32 {
        %parallel_loop3A_690 = arith.index_cast %parallel_loop3A_681 : i32 to index
        %parallel_loop3A_691 = arith.constant 0 : index
        %parallel_loop3A_692 = tpu.vector_load %arg9[%parallel_loop3A_690, %parallel_loop3A_691] {strides = array<i32>} : memref<104x128xf32, #tpu.memory_space<vmem>>, vector<1x16xf32>,
        %parallel_loop3A_693 = vector.shape_cast %parallel_loop3A_692 : vector<1x16xf32> to vector<16xf32>
        %parallel_loop3A_694 = arith.addf %parallel_loop3A_682, %parallel_loop3A_693 : vector<16xf32>
        %parallel_loop3A_695 = arith.index_cast %parallel_loop3A_681 : i32 to index
        %parallel_loop3A_696 = arith.constant 16 : index
        %parallel_loop3A_697 = tpu.vector_load %arg9[%parallel_loop3A_695, %parallel_loop3A_696] {strides = array<i32>} : memref<104x128xf32, #tpu.memory_space<vmem>>, vector<1x16xf32>,
        %parallel_loop3A_698 = vector.shape_cast %parallel_loop3A_697 : vector<1x16xf32> to vector<16xf32>
        %parallel_loop3A_699 = arith.addf %parallel_loop3A_683, %parallel_loop3A_698 : vector<16xf32>
        %parallel_loop3A_700 = arith.index_cast %parallel_loop3A_681 : i32 to index
        %parallel_loop3A_701 = arith.constant 32 : index
        %parallel_loop3A_702 = tpu.vector_load %arg9[%parallel_loop3A_700, %parallel_loop3A_701] {strides = array<i32>} : memref<104x128xf32, #tpu.memory_space<vmem>>, vector<1x16xf32>,
        %parallel_loop3A_703 = vector.shape_cast %parallel_loop3A_702 : vector<1x16xf32> to vector<16xf32>
        %parallel_loop3A_704 = arith.addf %parallel_loop3A_684, %parallel_loop3A_703 : vector<16xf32>
        %parallel_loop3A_705 = arith.index_cast %parallel_loop3A_681 : i32 to index
        %parallel_loop3A_706 = arith.constant 48 : index
        %parallel_loop3A_707 = tpu.vector_load %arg9[%parallel_loop3A_705, %parallel_loop3A_706] {strides = array<i32>} : memref<104x128xf32, #tpu.memory_space<vmem>>, vector<1x16xf32>,
        %parallel_loop3A_708 = vector.shape_cast %parallel_loop3A_707 : vector<1x16xf32> to vector<16xf32>
        %parallel_loop3A_709 = arith.addf %parallel_loop3A_685, %parallel_loop3A_708 : vector<16xf32>
        %parallel_loop3A_710 = arith.index_cast %parallel_loop3A_681 : i32 to index
        %parallel_loop3A_711 = arith.constant 64 : index
        %parallel_loop3A_712 = tpu.vector_load %arg9[%parallel_loop3A_710, %parallel_loop3A_711] {strides = array<i32>} : memref<104x128xf32, #tpu.memory_space<vmem>>, vector<1x16xf32>,
        %parallel_loop3A_713 = vector.shape_cast %parallel_loop3A_712 : vector<1x16xf32> to vector<16xf32>
        %parallel_loop3A_714 = arith.addf %parallel_loop3A_686, %parallel_loop3A_713 : vector<16xf32>
        %parallel_loop3A_715 = arith.index_cast %parallel_loop3A_681 : i32 to index
        %parallel_loop3A_716 = arith.constant 80 : index
        %parallel_loop3A_717 = tpu.vector_load %arg9[%parallel_loop3A_715, %parallel_loop3A_716] {strides = array<i32>} : memref<104x128xf32, #tpu.memory_space<vmem>>, vector<1x16xf32>,
        %parallel_loop3A_718 = vector.shape_cast %parallel_loop3A_717 : vector<1x16xf32> to vector<16xf32>
        %parallel_loop3A_719 = arith.addf %parallel_loop3A_687, %parallel_loop3A_718 : vector<16xf32>
        %parallel_loop3A_720 = arith.index_cast %parallel_loop3A_681 : i32 to index
        %parallel_loop3A_721 = arith.constant 96 : index
        %parallel_loop3A_722 = tpu.vector_load %arg9[%parallel_loop3A_720, %parallel_loop3A_721] {strides = array<i32>} : memref<104x128xf32, #tpu.memory_space<vmem>>, vector<1x16xf32>,
        %parallel_loop3A_723 = vector.shape_cast %parallel_loop3A_722 : vector<1x16xf32> to vector<16xf32>
        %parallel_loop3A_724 = arith.addf %parallel_loop3A_688, %parallel_loop3A_723 : vector<16xf32>
        %parallel_loop3A_725 = arith.index_cast %parallel_loop3A_681 : i32 to index
        %parallel_loop3A_726 = arith.constant 112 : index
        %parallel_loop3A_727 = tpu.vector_load %arg9[%parallel_loop3A_725, %parallel_loop3A_726] {strides = array<i32>} : memref<104x128xf32, #tpu.memory_space<vmem>>, vector<1x16xf32>,
        %parallel_loop3A_728 = vector.shape_cast %parallel_loop3A_727 : vector<1x16xf32> to vector<16xf32>
        %parallel_loop3A_729 = arith.addf %parallel_loop3A_689, %parallel_loop3A_728 : vector<16xf32>
        scf.yield %parallel_loop3A_694, %parallel_loop3A_699, %parallel_loop3A_704, %parallel_loop3A_709, %parallel_loop3A_714, %parallel_loop3A_719, %parallel_loop3A_724, %parallel_loop3A_729 : vector<16xf32>, vector<16xf32>, vector<16xf32>, vector<16xf32>, vector<16xf32>, vector<16xf32>, vector<16xf32>, vector<16xf32>
      } {sc.loop_unroll_factor = 5 : i64, sc.parallel_access}
      %mul3A_617 = arith.constant 2 : i32
      %mul3A_618 = arith.muli %mul3A_617, %add3A_523 : i32
      %add3A_619 = arith.constant 1 : i32
      %add3A_620 = arith.addi %mul3A_618, %add3A_619 : i32
      %swap3A_621 = arith.index_cast %add3A_620 : i32 to index
      %swap3A_622 = arith.constant 0 : index
      %swap3A_623 = tpu.vector_load %arg10[%swap3A_621, %swap3A_622] {strides = array<i32>} : memref<128x128xf32, #tpu.memory_space<vmem>>, vector<1x16xf32>,
      %swap3A_624 = vector.shape_cast %swap3A_623 : vector<1x16xf32> to vector<16xf32>
      %swap3A_625 = vector.shape_cast %parallel_loop3A_616#0 : vector<16xf32> to vector<1x16xf32>
      tpu.vector_store %arg10[%swap3A_621, %swap3A_622], %swap3A_625 {strides = array<i32>} : memref<128x128xf32, #tpu.memory_space<vmem>>, vector<1x16xf32>,
      %swap3A_626 = arith.index_cast %add3A_620 : i32 to index
      %swap3A_627 = arith.constant 16 : index
      %swap3A_628 = tpu.vector_load %arg10[%swap3A_626, %swap3A_627] {strides = array<i32>} : memref<128x128xf32, #tpu.memory_space<vmem>>, vector<1x16xf32>,
      %swap3A_629 = vector.shape_cast %swap3A_628 : vector<1x16xf32> to vector<16xf32>
      %swap3A_630 = vector.shape_cast %parallel_loop3A_616#1 : vector<16xf32> to vector<1x16xf32>
      tpu.vector_store %arg10[%swap3A_626, %swap3A_627], %swap3A_630 {strides = array<i32>} : memref<128x128xf32, #tpu.memory_space<vmem>>, vector<1x16xf32>,
      %swap3A_631 = arith.index_cast %add3A_620 : i32 to index
      %swap3A_632 = arith.constant 32 : index
      %swap3A_633 = tpu.vector_load %arg10[%swap3A_631, %swap3A_632] {strides = array<i32>} : memref<128x128xf32, #tpu.memory_space<vmem>>, vector<1x16xf32>,
      %swap3A_634 = vector.shape_cast %swap3A_633 : vector<1x16xf32> to vector<16xf32>
      %swap3A_635 = vector.shape_cast %parallel_loop3A_616#2 : vector<16xf32> to vector<1x16xf32>
      tpu.vector_store %arg10[%swap3A_631, %swap3A_632], %swap3A_635 {strides = array<i32>} : memref<128x128xf32, #tpu.memory_space<vmem>>, vector<1x16xf32>,
      %swap3A_636 = arith.index_cast %add3A_620 : i32 to index
      %swap3A_637 = arith.constant 48 : index
      %swap3A_638 = tpu.vector_load %arg10[%swap3A_636, %swap3A_637] {strides = array<i32>} : memref<128x128xf32, #tpu.memory_space<vmem>>, vector<1x16xf32>,
      %swap3A_639 = vector.shape_cast %swap3A_638 : vector<1x16xf32> to vector<16xf32>
      %swap3A_640 = vector.shape_cast %parallel_loop3A_616#3 : vector<16xf32> to vector<1x16xf32>
      tpu.vector_store %arg10[%swap3A_636, %swap3A_637], %swap3A_640 {strides = array<i32>} : memref<128x128xf32, #tpu.memory_space<vmem>>, vector<1x16xf32>,
      %swap3A_641 = arith.index_cast %add3A_620 : i32 to index
      %swap3A_642 = arith.constant 64 : index
      %swap3A_643 = tpu.vector_load %arg10[%swap3A_641, %swap3A_642] {strides = array<i32>} : memref<128x128xf32, #tpu.memory_space<vmem>>, vector<1x16xf32>,
      %swap3A_644 = vector.shape_cast %swap3A_643 : vector<1x16xf32> to vector<16xf32>
      %swap3A_645 = vector.shape_cast %parallel_loop3A_616#4 : vector<16xf32> to vector<1x16xf32>
      tpu.vector_store %arg10[%swap3A_641, %swap3A_642], %swap3A_645 {strides = array<i32>} : memref<128x128xf32, #tpu.memory_space<vmem>>, vector<1x16xf32>,
      %swap3A_646 = arith.index_cast %add3A_620 : i32 to index
      %swap3A_647 = arith.constant 80 : index
      %swap3A_648 = tpu.vector_load %arg10[%swap3A_646, %swap3A_647] {strides = array<i32>} : memref<128x128xf32, #tpu.memory_space<vmem>>, vector<1x16xf32>,
      %swap3A_649 = vector.shape_cast %swap3A_648 : vector<1x16xf32> to vector<16xf32>
      %swap3A_650 = vector.shape_cast %parallel_loop3A_616#5 : vector<16xf32> to vector<1x16xf32>
      tpu.vector_store %arg10[%swap3A_646, %swap3A_647], %swap3A_650 {strides = array<i32>} : memref<128x128xf32, #tpu.memory_space<vmem>>, vector<1x16xf32>,
      %swap3A_651 = arith.index_cast %add3A_620 : i32 to index
      %swap3A_652 = arith.constant 96 : index
      %swap3A_653 = tpu.vector_load %arg10[%swap3A_651, %swap3A_652] {strides = array<i32>} : memref<128x128xf32, #tpu.memory_space<vmem>>, vector<1x16xf32>,
      %swap3A_654 = vector.shape_cast %swap3A_653 : vector<1x16xf32> to vector<16xf32>
      %swap3A_655 = vector.shape_cast %parallel_loop3A_616#6 : vector<16xf32> to vector<1x16xf32>
      tpu.vector_store %arg10[%swap3A_651, %swap3A_652], %swap3A_655 {strides = array<i32>} : memref<128x128xf32, #tpu.memory_space<vmem>>, vector<1x16xf32>,
      %swap3A_656 = arith.index_cast %add3A_620 : i32 to index
      %swap3A_657 = arith.constant 112 : index
      %swap3A_658 = tpu.vector_load %arg10[%swap3A_656, %swap3A_657] {strides = array<i32>} : memref<128x128xf32, #tpu.memory_space<vmem>>, vector<1x16xf32>,
      %swap3A_659 = vector.shape_cast %swap3A_658 : vector<1x16xf32> to vector<16xf32>
      %swap3A_660 = vector.shape_cast %parallel_loop3A_616#7 : vector<16xf32> to vector<1x16xf32>
      tpu.vector_store %arg10[%swap3A_656, %swap3A_657], %swap3A_660 {strides = array<i32>} : memref<128x128xf32, #tpu.memory_space<vmem>>, vector<1x16xf32>,
      %mul3A_661 = arith.constant 2 : i32
      %mul3A_662 = arith.muli %mul3A_661, %add3A_523 : i32
      %mul3A_663 = arith.constant 128 : i32
      %mul3A_664 = arith.muli %add3A, %mul3A_663 : i32
      %add3A_665 = arith.addi %mul3A_664, %mul3A_662 : i32
      %dma_start3A_666 = arith.constant 0 : i32
      %dma_start3A_667 = tpu.memref_slice %arg10[%mul3A_662, %dma_start3A_666] : memref<128x128xf32, #tpu.memory_space<vmem>> -> memref<2x128xf32, #tpu.memory_space<vmem>>
      %dma_start3A_668 = arith.constant 0 : i32
      %dma_start3A_669 = tpu.memref_slice %arg4[%add3A_665, %dma_start3A_668] : memref<4096x128xf32, #tpu.memory_space<hbm>> -> memref<2x128xf32, #tpu.memory_space<hbm>>
      %dma_start3A_670 = arith.constant 0 : i32
      %dma_start3A_671 = tpu.memref_slice %arg4[%add3A_665, %dma_start3A_670] : memref<4096x128xf32, #tpu.memory_space<hbm>> -> memref<2x128xf32, #tpu.memory_space<hbm>>
      %dma_start3A_672 = arith.constant 0 : i32
      %dma_start3A_673 = tpu.memref_slice %arg10[%mul3A_662, %dma_start3A_672] : memref<128x128xf32, #tpu.memory_space<vmem>> -> memref<2x128xf32, #tpu.memory_space<vmem>>
      tpu.enqueue_dma source(%dma_start3A_673 : memref<2x128xf32, #tpu.memory_space<vmem>>) target(%dma_start3A_671 : memref<2x128xf32, #tpu.memory_space<hbm>>) target_semaphore(%arg15 : memref<!tpu.dma_semaphore, #tpu.memory_space<semaphore_mem>>)
      %add3A_674 = arith.constant 4 : i32
      %add3A_675 = arith.addi %add3A_523, %add3A_674 : i32
      %lt3A_676 = arith.constant 64 : i32
      %lt3A_677 = arith.cmpi slt, %add3A_675, %lt3A_676 : i32
      %convert_element_type3A_678 = arith.extui %lt3A_677 : i1 to i32
      %cond3A_679 = arith.constant 0 : i32
      %cond3A_680 = arith.cmpi ne, %convert_element_type3A_678, %cond3A_679 : i32
      scf.if %cond3A_680 {
        %mul3A_681 = arith.constant 100 : i32
        %mul3A_682 = arith.muli %add3A_675, %mul3A_681 : i32
        %sub3A_683 = arith.constant 4 : i32
        %sub3A_684 = arith.subi %mul3A_682, %sub3A_683 : i32
        %multiple_of3A_685 = tpu.assume_multiple %sub3A_684, 8 : i32
        %dma_start3A_686 = tpu.memref_slice %arg5[%multiple_of3A_685] : memref<6400xi32, #tpu.memory_space<vmem>> -> memref<104xi32, #tpu.memory_space<vmem>>
        %dma_start3A_687 = arith.constant 0 : i32
        %dma_start3A_688 = arith.constant 0 : i32
        %dma_start3A_689 = tpu.memref_slice %arg2[%dma_start3A_687, %dma_start3A_688] : memref<100000x128xf32, #tpu.memory_space<hbm>> -> memref<100000x128xf32, #tpu.memory_space<hbm>>
        tpu.enqueue_indirect_dma source(%dma_start3A_689 : memref<100000x128xf32, #tpu.memory_space<hbm>>) target(%arg9 : memref<104x128xf32, #tpu.memory_space<vmem>>) offsets(%dma_start3A_686 : memref<104xi32, #tpu.memory_space<vmem>>) semaphore(%arg14 : memref<!tpu.dma_semaphore, #tpu.memory_space<semaphore_mem>>)
      } else {
      }
    }
    %scan3A_35 = arith.constant 16 : i32
    %mul3A_36 = arith.constant 128 : i32
    %mul3A_37 = arith.muli %add3A, %mul3A_36 : i32
    %dma_wait3A = arith.constant 0 : i32
    %dma_wait3A_38 = tpu.memref_slice %arg4[%mul3A_37, %dma_wait3A] : memref<4096x128xf32, #tpu.memory_space<hbm>> -> memref<128x128xf32, #tpu.memory_space<hbm>>
    %dma_wait3A_39 = arith.constant 0 : i32
    %dma_wait3A_40 = tpu.memref_slice %arg4[%mul3A_37, %dma_wait3A_39] : memref<4096x128xf32, #tpu.memory_space<hbm>> -> memref<128x128xf32, #tpu.memory_space<hbm>>
    tpu.wait_dma2 semaphore(%arg15 : memref<!tpu.dma_semaphore, #tpu.memory_space<semaphore_mem>>) src(%dma_wait3A_40 : memref<128x128xf32, #tpu.memory_space<hbm>>) dst(%arg10 : memref<128x128xf32, #tpu.memory_space<vmem>>)
    return
  }
}

</mosaic_0001>

<sc_bundles>
// kernel: _sc_bag_sums.3.cloned.1.call-start
scs
__scs_entry_jumppad:
0x0: {  	(pc) =	sbr.rel $0x88, $3  }
0x1: {  	(tag) =	ssettag $0x0;
	lr =	simm.s32 $0x1  }
0x2: {  	[smem:$0x3F9F] =	sst lr;
	_ =	strace $0xD0000000  }
0x3: {  	_ = 	snop  }
0x4: {  	_ = 	snop  }
0x5: {  	_ = 	snop  }
0x6: {  	_ = 	snop  }
0x7: {  	_ = 	snop  }
__scs_overlays_trampoline_lowered:
0x8: {  	[smem:$0x3FAE] =	sst s0  }
0x9: {  	[smem:$0x3FAF] =	sst s1  }
0xa: {  	[smem:$0x3FB0] =	sst s2  }
0xb: {  	[smem:$0x3FB1] =	sst s3  }
0xc: {  	[smem:$0x3FB2] =	sst s4  }
0xd: {  	[smem:$0x3FB3] =	sst s5  }
0xe: {  	[smem:$0x3FB4] =	sst s6  }
0xf: {  	[smem:$0x3FB5] =	sst s7  }
0x10: {  	[smem:$0x3FB6] =	sst s8  }
0x11: {  	[smem:$0x3FB7] =	sst s9;
	s0 =	simm.s32 @!p0 $0x0  }
0x12: {  	s1 =	sld [smem:$0x3F9D];
	s0 =	simm.s32 @p0 $0x1  }
0x13: {  	[smem:$0x3FB8] =	sst s0;
	s0 =	simm.s32 @!p1 $0x0  }
0x14: {  	s2 =	sld [smem:$0x3F9C];
	s0 =	simm.s32 @p1 $0x1  }
0x15: {  	[smem:$0x3FB9] =	sst s0;
	s0 =	simm.s32 @!p2 $0x0  }
0x16: {  	s3 =	sld [smem:$0x3FDB];
	s0 =	simm.s32 @p2 $0x1  }
0x17: {  	s4 =	simm.s32 $0x1BF5;
	[smem:$0x3FBB] =	sst s0  }
0x18: {  	s0 =	sld [smem:$0x3F9E];
	_ =	swait.ge [sflag:s4], $0x0  }
0x19: {  	s7 =	sld [smem:$0x3F9F]  }
0x1a: {  	s8 =	sadd.s32 $0xFFFFE003, lr  }
0x1b: {  	s9 =	sadd.s32 $0xFFFFFEF7, lr;
	s5 =	simm.s32 $0xFFFFFFFF;
	p2 =	slt.u32 s8, $0xFFFFF086  }
0x1c: {  	p1 =	slt.u32 s9, $0xF7A;
	s5 =	simm.s32 @!p2 $0x0  }
0x1d: {  	s5 =	simm.s32 @p1 $0x1;
	p0 =	seq.s32 s7, s2  }
0x1e: {  	s7 =	smul.u32 @!p0 $0xF7A, s2;
	p2 =	seq.s32 @!p0 s5, $0x0  }
0x1f: {  	s9 =	smul.u32 $0xF7A, s1;
	s8 =	simm.s32 @!p0 $0x1BF5;
	p2 =	por !p2, p0  }
0x20: {  	[sflag:s8] =	ssyncset.s32 @!p0 $0xFFFFF086;
	s6 =	sadd.s32 @!p0 s3, s7;
	s7 =	simm.s32 @!p0 $0x108  }
0x21: {  	s3 =	sadd.s32 s3, s9;
	s6 =	sadd.s32 @!p0 $0x88, s6;
	s7 =	simm.s32 @p2 $0x1082  }
0x22: {  	[simem:s7], [sflag:s8] =	dma.local @!p0 [hbm:s6], $0xF7A  }
0x23: {  	s9 =	sor.u32 $0xD0000000, s2;
	s6 =	simm.s32 $0x108;
	_ =	swait.ge @!p0 [sflag:s8], $0x0  }
0x24: {  	s3 =	sadd.s32 $0x88, s3;
	s6 =	simm.s32 @!p1 $0x1082;
	[sflag:s4] =	ssyncset.s32 $0xFFFFF086  }
0x25: {  	[simem:s6], [sflag:s4] =	dma.local [hbm:s3], $0xF7A  }
0x26: {  	[smem:$0x3F9F] =	sst s1;
	(tag) =	ssettag s2;
	_ =	strace s9  }
0x27: {  	s1 =	sld [smem:$0x3FAF]  }
0x28: {  	s2 =	sld [smem:$0x3FB0]  }
0x29: {  	s4 =	sld [smem:$0x3FB2]  }
0x2a: {  	p0 =	seq.s32 s5, $0x0;
	s5 =	sld [smem:$0x3FB3]  }
0x2b: {  	s6 =	sld [smem:$0x3FB4]  }
0x2c: {  	s7 =	sld [smem:$0x3FB5]  }
0x2d: {  	s3 =	simm.s32 $0x108;
	s8 =	sld [smem:$0x3FB6]  }
0x2e: {  	s3 =	simm.s32 @!p0 $0x1082;
	s9 =	sld [smem:$0x3FB7]  }
0x2f: {  	lr =	sadd.s32 s0, s3;
	s0 =	sld [smem:$0x3FAE]  }
0x30: {  	s3 =	sld [smem:$0x3FB1]  }
0x31: {  	[smem:$0x3FBA] =	sst s10  }
0x32: {  	s10 =	sld [smem:$0x3FB8];
	_ =	sdelay $0x3  }
0x33: {  	p0 =	seq.s32 s10, $0x1;
	s10 =	sld [smem:$0x3FBA];
	_ =	sdelay $0x3  }
0x34: {  	[smem:$0x3FBA] =	sst s10  }
0x35: {  	s10 =	sld [smem:$0x3FB9];
	_ =	sdelay $0x3  }
0x36: {  	p1 =	seq.s32 s10, $0x1;
	s10 =	sld [smem:$0x3FBA];
	_ =	sdelay $0x3  }
0x37: {  	[smem:$0x3FBA] =	sst s10  }
0x38: {  	s10 =	sld [smem:$0x3FBB]  }
0x39: {  	_ = 	snop;
	(pc) =	sbr.ind lr, $3  }
0x3a: {  	_ = 	snop  }
0x3b: {  	_ = 	snop  }
0x3c: {  	p2 =	seq.s32 s10, $0x1;
	s10 =	sld [smem:$0x3FBA]  }
0x3d: {  	_ =	shalt  }
0x3e: {  	_ =	shalt  }
0x3f: {  	_ =	shalt  }
0x40: {  	_ =	shalt  }
0x41: {  	_ =	shalt  }
0x42: {  	_ =	shalt  }
0x43: {  	_ =	shalt  }
0x44: {  	_ =	shalt  }
0x45: {  	_ =	shalt  }
0x46: {  	_ =	shalt  }
0x47: {  	_ =	shalt  }
0x48: {  	_ =	shalt  }
0x49: {  	_ =	shalt  }
0x4a: {  	_ =	shalt  }
0x4b: {  	_ =	shalt  }
0x4c: {  	_ =	shalt  }
0x4d: {  	_ =	shalt  }
0x4e: {  	_ =	shalt  }
0x4f: {  	_ =	shalt  }
0x50: {  	_ =	shalt  }
0x51: {  	_ =	shalt  }
0x52: {  	_ =	shalt  }
0x53: {  	_ =	shalt  }
0x54: {  	_ =	shalt  }
0x55: {  	_ =	shalt  }
0x56: {  	_ =	shalt  }
0x57: {  	_ =	shalt  }
0x58: {  	_ =	shalt  }
0x59: {  	_ =	shalt  }
0x5a: {  	_ =	shalt  }
0x5b: {  	_ =	shalt  }
0x5c: {  	_ =	shalt  }
0x5d: {  	_ =	shalt  }
0x5e: {  	_ =	shalt  }
0x5f: {  	_ =	shalt  }
0x60: {  	_ =	shalt  }
0x61: {  	_ =	shalt  }
0x62: {  	_ =	shalt  }
0x63: {  	_ =	shalt  }
0x64: {  	_ =	shalt  }
0x65: {  	_ =	shalt  }
0x66: {  	_ =	shalt  }
0x67: {  	_ =	shalt  }
0x68: {  	_ =	shalt  }
0x69: {  	_ =	shalt  }
0x6a: {  	_ =	shalt  }
0x6b: {  	_ =	shalt  }
0x6c: {  	_ =	shalt  }
0x6d: {  	_ =	shalt  }
0x6e: {  	_ =	shalt  }
0x6f: {  	_ =	shalt  }
0x70: {  	_ =	shalt  }
0x71: {  	_ =	shalt  }
0x72: {  	_ =	shalt  }
0x73: {  	_ =	shalt  }
0x74: {  	_ =	shalt  }
0x75: {  	_ =	shalt  }
0x76: {  	_ =	shalt  }
0x77: {  	_ =	shalt  }
0x78: {  	_ =	shalt  }
0x79: {  	_ =	shalt  }
0x7a: {  	_ =	shalt  }
0x7b: {  	_ =	shalt  }
0x7c: {  	_ =	shalt  }
0x7d: {  	_ =	shalt  }
0x7e: {  	_ =	shalt  }
0x7f: {  	_ =	shalt  }
0x80: {  	_ =	shalt  }
0x81: {  	_ =	shalt  }
0x82: {  	_ =	shalt  }
0x83: {  	_ =	shalt  }
0x84: {  	_ =	shalt  }
0x85: {  	_ =	shalt  }
0x86: {  	_ =	shalt  }
0x87: {  	_ =	shalt  }
.Lfunc_end0:
.L_simem_size_0:
called_computation_lowered:
.L_overlay_start_0:
0x88: {  	s2 =	sld [smem:$0x3FD9]  }
0x89: {  	s3 =	sld [smem:$0x3FFE];
	_ =	sdelay $0x1  }
0x8a: {  	s1 =	srdreg.scid  }
0x8b: {  	s0 =	sand.u32 $0x1, s1  }
0x8c: {  	s18 =	sshll.u32 s0, $0xA;
	s2 =	sadd.s32 s3, s2  }
0x8d: {  	s2 =	sadd.s32 s2, s18  }
0x8e: {  	[smem:$0x3FC6] =	sst s2  }
0x8f: {  	_ = 	snop  }
0x90: {  	s2 =	sld [smem:$0x3FC9]  }
0x91: {  	s19 =	sld [smem:$0x3FC8]  }
0x92: {  	s4 =	sld [smem:$0x3FD0];
	(tm) =	ssettm $0x1  }
0x93: {  	s5 =	sld [smem:$0x3FFB];
	_ =	sdelay $0x3  }
0x94: {  	_ =	strace s5  }
0x95: {  	s5 =	sld [smem:$0x3FFC];
	_ =	sdelay $0x3  }
0x96: {  	_ =	strace s5  }
0x97: {  	s5 =	sld [smem:$0x3FFD];
	_ =	sdelay $0x3  }
0x98: {  	_ =	strace s5  }
0x99: {  	_ =	strace $0x8FFFFFFF  }
0x9a: {  	s20 =	sld [smem:$0x3FDB];
	_ =	sdelay $0x1  }
0x9b: {  	s6 =	simm.s32 $_scs_section_size  }
0x9c: {  	s7 =	simm.s32 $_size__tile_overlayer_lowered;
	s8 =	simm.s32 $_tile_overlayer_lowered  }
0x9d: {  	s23 =	simm.s32 $0x1BFF;
	s22 =	sshll.u32 s8, $0x1;
	s5 =	sadd.s32 s6, s20  }
0x9e: {  	s9 =	simm.s32 $0x0;
	s21 =	sshll.u32 s7, $0x1;
	s7 =	sadd.s32 s22, s5  }
0x9f: {  	[timem:s9], [sflag:s23] =	dma.local [hbm:s7], s21  }
0xa0: {  	_ =	swait.ge [sflag:s23], s21  }
0xa1: {  	s6 =	ssub.s32 $0x0, s21;
	[sflag:s23] =	ssyncset.done $0x0  }
0xa2: {  	[sflag:s23] =	ssyncadd.s32 s6;
	_ =	sdelay $0x1  }
0xa3: {  	s24 =	simm.s32 $0x1B8B  }
0xa4: {  	_ =	swait.ge [sflag:s24], $0x1  }
0xa5: {  	[sflag:s24] =	ssyncset.done $0x0  }
0xa6: {  	s25 =	simm.s32 $0x1B8E;
	[sflag:s24] =	ssyncadd.s32 $0xFFFFFFFF  }
0xa7: {  	s26 =	simm.s32 $execute0_lowered;
	[smem:$0x3FD2] =	sst s25  }
0xa8: {  	s6 =	sshll.u32 s26, $0x1;
	_ =	strace $0x80000046;
	[dreg:$0x1] =	wrdreg $0xFFFFFFFF  }
0xa9: {  	s28 =	simm.s32 $_size_execute0_lowered;
	s5 =	sadd.s32 s5, s6;
	[dreg:$0x0] =	wrdreg $0x0  }
0xaa: {  	s6 =	sshll.u32 s28, $0x1;
	[dreg:$0x2] =	wrdreg s5  }
0xab: {  	[dreg:$0x3] =	wrdreg s6  }
0xac: {  	[dreg:$0x4] =	wrdreg $0xC0  }
0xad: {  	_ =	task [dreg:s9], $0x5FFFF  }
0xae: {  	[dreg:$0x1] =	wrdreg $0xFFFFFFFF  }
0xaf: {  	[dreg:$0x0] =	wrdreg $0x60  }
0xb0: {  	[dreg:$0x2] =	wrdreg s2  }
0xb1: {  	[dreg:$0x3] =	wrdreg s19  }
0xb2: {  	[dreg:$0x4] =	wrdreg s4  }
0xb3: {  	[dreg:$0x5] =	wrdreg $0x9  }
0xb4: {  	_ =	task.clear_ibuf [dreg:s9], $0x6FFFF;
	_ =	strace $0x90000046  }
0xb5: {  	s29 =	simm.s32 $0x9;
	_ =	strace $0x80000048  }
0xb6: {  	_ =	swait.ge [sflag:s29], $0x1  }
0xb7: {  	[sflag:s29] =	ssyncadd.s32 $0xFFFFFFFF  }
0xb8: {  	_ =	strace $0x90000048  }
0xb9: {  	_ =	sfence  }
0xba: {  	s30 =	sld [smem:$0x0];
	_ =	sdelay $0x2  }
0xbb: {  	s31 =	sshll.u32 s1, $0xD;
	s1 =	sshrl.u32 s1, $0x2  }
0xbc: {  	s3 =	sand.u32 $0x4000, s31;
	s1 =	sadd.s32 s1, s30  }
0xbd: {  	s0 =	sor.u32 s3, s0;
	s1 =	sshll.u32 s1, $0x11  }
0xbe: {  	s0 =	sor.u32 s1, s0  }
0xbf: {  	s0 =	sadd.s32 $0x8F2B, s0  }
0xc0: {  	[sflag:s0] =	ssyncadd.remote.s32 $0x1  }
0xc1: {  	_ =	sfence.sel $0xFFFF  }
0xc2: {  	[dreg:$0x0] =	wrdreg $0xFFFFFFFF;
	(pc) =	sbr.abs _section_cstart, $3  }
0xc3: {  	[dreg:$0x1] =	wrdreg $0xFFFFFFFF  }
0xc4: {  	_ =	task.clear_ibuf [dreg:s9], $0x2FFFF;
	_ =	strace $0x9FFFFFFF  }
0xc5: {  	(tm) =	ssettm $0x7FFFFFFF  }
tec
execute0_lowered:
.L_overlay_start_1:
0x0: {  	(tag) =	ssettag $0x1  }
0x1: {  	s2 =	rddreg [dreg:$0x0]  }
0x2: {  	s0 =	rddreg [dreg:$0x1]  }
0x3: {  	s3 =	rddreg [dreg:$0x2]  }
0x4: {  	s1 =	srdreg.scid;
	s4 =	stileid.u32;
	s9 =	simm.s32 $0x6  }
0x5: {  	s10 =	simm.s32 $0x64;
	s12 =	simm.s32 $0x68;
	s13 =	simm.s32 $0x60  }
0x6: {  	s14 =	simm.s32 $0x4D00;
	s15 =	simm.s32 $0xC8;
	s16 =	simm.s32 $0x8100  }
0x7: {  	s17 =	simm.s32 $0x128;
	s18 =	simm.s32 $0xB500;
	s19 =	simm.s32 $0x1  }
0x8: {  	s20 =	simm.s32 $0x2;
	s21 =	simm.s32 $0x3;
	s22 =	simm.s32 $0x4  }
0x9: {  	s23 =	simm.s32 $0x5;
	s24 =	simm.s32 $0x0;
	s1 =	sand.u32 $0x1, s1  }
.Ltmp0:
0xa: {  	s5 =	sshll.u32 s4, $0x1;
	s4 =	simm.s32 $0x0;
	(pc) =	sbr.rel .LBB2_1-.Ltmp0, $4  }
0xb: {  	s6 =	ssub.s32 $0x2, s1;
	s1 =	sor.u32 s1, s5;
	[smem:$0x7FF] =	sst s4  }
0xc: {  	s30 =	sshrl.u32 s6, $0x1;
	s7 =	smul.u32 $0x320, s1;
	_ =	strace $0x80000047  }
0xd: {  	s31 =	sshll.u32 s1, $0xB;
	s8 =	ssub.s32 s6, s30;
	s6 =	sshll.u32 s1, $0x7  }
0xe: {  	s5 =	sadd.s32 s0, s7;
	s7 =	sadd.s32 s3, s31;
	s8 =	smax.u32 s8, $0x1  }
.LBB2_20:
0xf: {  	s24 =	sadd.s32 $0x1, s24  }
0x10: {  	p0 =	sne.s32 s24, s8  }
.Ltmp1:
0x11: {  	_ = 	snop;
	(pc) =	sbr.rel @!p0 .LBB2_21-.Ltmp1, $4  }
0x12: {  	_ = 	snop  }
0x13: {  	_ =	swait.ge [sflag:s23], $0x4000  }
0x14: {  	[sflag:s23] =	ssyncset.done $0x0  }
0x15: {  	[sflag:s23] =	ssyncadd.s32 $0xFFFFC000  }
.LBB2_1:
0x16: {  	[tilespmem:s4], [sflag:$0x6] =	stream.linear.gather [hbm4b:s5+s4], $0x1900, $0x38;
	[tilespmem:$0x12900] =	vst v63  }
0x17: {  	_ =	swait.ge [sflag:s9], $0x1900  }
0x18: {  	[sflag:s9] =	ssyncset.done $0x0  }
0x19: {  	s0 =	simm.s32 $0x1900;
	[sflag:s9] =	ssyncadd.s32 $0xFFFFE700  }
0x1a: {  	[tilespmem:s0], [sflag:$0x1] =	stream.indirect.gather [hbm4b:s2+s10], $0x80, s4, s10, $0xb8;
	[tilespmem:$0x12900] =	vst v63  }
0x1b: {  	_ = 	snop  }
0x1c: {  	[tilespmem:s14], [sflag:$0x2] =	stream.indirect.gather [hbm4b:s2+s12], $0x80, s13, s12, $0xb8;
	[tilespmem:$0x12900] =	vst v63  }
0x1d: {  	_ = 	snop  }
0x1e: {  	[tilespmem:s16], [sflag:$0x3] =	stream.indirect.gather [hbm4b:s2+s10], $0x80, s15, s10, $0xb8;
	[tilespmem:$0x12900] =	vst v63  }
0x1f: {  	s25 =	simm.s32 $0x0  }
0x20: {  	[tilespmem:s18], [sflag:$0x4] =	stream.indirect.gather [hbm4b:s2+s12], $0x80, s17, s12, $0xb8;
	[tilespmem:$0x12900] =	vst v63  }
.LBB2_2:
0x21: {  	_ =	swait.ge [sflag:s19], $0x3200  }
0x22: {  	[sflag:s19] =	ssyncset.done $0x0  }
0x23: {  	s1 =	simm.s32 $0x0;
	[sflag:s19] =	ssyncadd.s32 $0xFFFFCE00  }
0x24: {  	v0 =	vld [tilespmem:s1+$0x1970]  }
0x25: {  	v1 =	vld [tilespmem:s1+$0x1900]  }
0x26: {  	v3 =	vld [tilespmem:s1+$0x1910]  }
0x27: {  	v12 =	vld [tilespmem:s1+$0x1920]  }
0x28: {  	v10 =	vld [tilespmem:s1+$0x1930]  }
0x29: {  	v2 =	vimm.f32 $0.0e+00;
	v6 =	vimm.f32 $0.0e+00;
	v5 =	vld [tilespmem:s1+$0x1940]  }
0x2a: {  	v7 =	vimm.f32 $0.0e+00;
	v8 =	vld [tilespmem:s1+$0x1950];
	v0 =	vadd.f32 v0, v2;
	v9 =	vadd.f32 v1, v2  }
0x2b: {  	s26 =	simm.s32 $0x80;
	s0 =	simm.s32 $0x400;
	v11 =	vld [tilespmem:s1+$0x1960];
	v4 =	vadd.f32 v3, v2;
	v3 =	vimm.f32 $0.0e+00;
	v1 =	vimm.f32 $0.0e+00  }
.LBB2_3:
0x2c: {  	p0 =	sne.s32 s0, $0x6200;
	v13 =	vld [tilespmem:s26+$0x1970];
	v2 =	vadd.f32 v12, v2  }
0x2d: {  	v14 =	vld [tilespmem:s26+$0x1900];
	v6 =	vadd.f32 v10, v6  }
0x2e: {  	v15 =	vld [tilespmem:s26+$0x1910];
	v7 =	vadd.f32 v5, v7  }
.Ltmp2:
0x2f: {  	v12 =	vld [tilespmem:s26+$0x1920];
	v3 =	vadd.f32 v8, v3;
	(pc) =	sbr.rel @p0 .LBB2_3-.Ltmp2, $4  }
0x30: {  	v10 =	vld [tilespmem:s26+$0x1930];
	v1 =	vadd.f32 v11, v1  }
0x31: {  	v5 =	vld [tilespmem:s26+$0x1940];
	v0 =	vadd.f32 v13, v0  }
0x32: {  	v9 =	vadd.f32 v14, v9;
	v8 =	vld [tilespmem:s26+$0x1950]  }
0x33: {  	v4 =	vadd.f32 v15, v4;
	v11 =	vld [tilespmem:s26+$0x1960];
	s26 =	sshra.s32 s0, $0x2;
	s0 =	sadd.s32 $0x200, s0  }
0x34: {  	v13 =	vld [tilespmem:s26+$0x1970]  }
0x35: {  	v14 =	vld [tilespmem:s26+$0x1900]  }
0x36: {  	v15 =	vld [tilespmem:s26+$0x1910]  }
0x37: {  	v16 =	vld [tilespmem:s26+$0x1920]  }
0x38: {  	v17 =	vld [tilespmem:s26+$0x1930]  }
0x39: {  	v18 =	vld [tilespmem:s26+$0x1940];
	v2 =	vadd.f32 v12, v2  }
0x3a: {  	s0 =	sshll.u32 s25, $0xA;
	v6 =	vadd.f32 v10, v6;
	v10 =	vld [tilespmem:s26+$0x1960];
	v9 =	vadd.f32 v14, v9  }
0x3b: {  	v12 =	vld [tilespmem:s26+$0x1950];
	s26 =	sand.u32 $0x3FFFFC00, s0;
	v4 =	vadd.f32 v15, v4  }
0x3c: {  	v2 =	vadd.f32 v16, v2;
	[tilespmem:s26+$0xE900] =	vst v9  }
0x3d: {  	v1 =	vadd.f32 v11, v1;
	v6 =	vadd.f32 v17, v6;
	[tilespmem:s26+$0xE910] =	vst v4  }
0x3e: {  	v5 =	vadd.f32 v5, v7;
	v0 =	vadd.f32 v13, v0;
	[tilespmem:s26+$0xE920] =	vst v2  }
0x3f: {  	v3 =	vadd.f32 v8, v3;
	v1 =	vadd.f32 v10, v1;
	[tilespmem:s26+$0xE930] =	vst v6  }
0x40: {  	v4 =	vadd.f32 v18, v5;
	[tilespmem:s26+$0xE970] =	vst v0  }
0x41: {  	v2 =	vadd.f32 v12, v3;
	[tilespmem:s26+$0xE960] =	vst v1  }
0x42: {  	[tilespmem:s26+$0xE940] =	vst v4  }
0x43: {  	s1 =	simm.s32 $0x0;
	[tilespmem:s26+$0xE950] =	vst v2  }
0x44: {  	v0 =	vld [tilespmem:s1+$0x3270]  }
0x45: {  	v2 =	vld [tilespmem:s1+$0x3200]  }
0x46: {  	v3 =	vld [tilespmem:s1+$0x3210]  }
0x47: {  	v11 =	vld [tilespmem:s1+$0x3220]  }
0x48: {  	v9 =	vld [tilespmem:s1+$0x3230]  }
0x49: {  	v7 =	vimm.f32 $0.0e+00;
	v1 =	vimm.f32 $0.0e+00;
	v6 =	vld [tilespmem:s1+$0x3240]  }
0x4a: {  	v10 =	vimm.f32 $0.0e+00;
	v5 =	vimm.f32 $0.0e+00;
	v8 =	vld [tilespmem:s1+$0x3250];
	v0 =	vadd.f32 v0, v1  }
0x4b: {  	s29 =	simm.s32 $0x80;
	s0 =	simm.s32 $0x400;
	s28 =	sadd.s32 $0xE900, s26;
	v12 =	vld [tilespmem:s1+$0x3260];
	v4 =	vadd.f32 v2, v1;
	v3 =	vadd.f32 v3, v1;
	v2 =	vimm.f32 $0.0e+00  }
.LBB2_5:
0x4c: {  	p0 =	sne.s32 s0, $0x6200;
	v13 =	vld [tilespmem:s29+$0x3270];
	v1 =	vadd.f32 v11, v1  }
0x4d: {  	v14 =	vld [tilespmem:s29+$0x3200];
	v5 =	vadd.f32 v9, v5  }
0x4e: {  	v15 =	vld [tilespmem:s29+$0x3210];
	v10 =	vadd.f32 v6, v10  }
.Ltmp3:
0x4f: {  	v11 =	vld [tilespmem:s29+$0x3220];
	v7 =	vadd.f32 v8, v7;
	(pc) =	sbr.rel @p0 .LBB2_5-.Ltmp3, $4  }
0x50: {  	v9 =	vld [tilespmem:s29+$0x3230];
	v2 =	vadd.f32 v12, v2  }
0x51: {  	v6 =	vld [tilespmem:s29+$0x3240];
	v0 =	vadd.f32 v13, v0  }
0x52: {  	v4 =	vadd.f32 v14, v4;
	v8 =	vld [tilespmem:s29+$0x3250]  }
0x53: {  	v3 =	vadd.f32 v15, v3;
	v12 =	vld [tilespmem:s29+$0x3260];
	s29 =	sshra.s32 s0, $0x2;
	s0 =	sadd.s32 $0x200, s0  }
0x54: {  	v14 =	vld [tilespmem:s29+$0x3200]  }
0x55: {  	v15 =	vld [tilespmem:s29+$0x3210]  }
0x56: {  	v16 =	vld [tilespmem:s29+$0x3220]  }
0x57: {  	v17 =	vld [tilespmem:s29+$0x3230]  }
0x58: {  	v13 =	vld [tilespmem:s29+$0x3270];
	v1 =	vadd.f32 v11, v1  }
0x59: {  	v5 =	vadd.f32 v9, v5;
	v9 =	vld [tilespmem:s29+$0x3260];
	v4 =	vadd.f32 v14, v4  }
0x5a: {  	v18 =	vld [tilespmem:s29+$0x3240];
	v3 =	vadd.f32 v15, v3  }
0x5b: {  	v11 =	vld [tilespmem:s29+$0x3250];
	v1 =	vadd.f32 v16, v1;
	[tilespmem:s26+$0xE980] =	vst v4  }
0x5c: {  	v2 =	vadd.f32 v12, v2;
	v5 =	vadd.f32 v17, v5;
	[tilespmem:s26+$0xE990] =	vst v3  }
0x5d: {  	v6 =	vadd.f32 v6, v10;
	v0 =	vadd.f32 v13, v0;
	[tilespmem:s26+$0xE9A0] =	vst v1  }
0x5e: {  	v2 =	vadd.f32 v9, v2;
	v4 =	vadd.f32 v8, v7;
	[tilespmem:s26+$0xE9B0] =	vst v5  }
0x5f: {  	p0 =	seq.s32 s25, $0xF;
	v3 =	vadd.f32 v18, v6;
	[tilespmem:s26+$0xE9F0] =	vst v0  }
0x60: {  	s1 =	smul.u32 @!p0 $0x640, s25;
	[tilespmem:s26+$0xE9E0] =	vst v2;
	v1 =	vadd.f32 v11, v4  }
0x61: {  	s0 =	sshll.u32 s25, $0x7;
	[tilespmem:s26+$0xE9C0] =	vst v3  }
0x62: {  	s0 =	sadd.s32 s0, s7;
	s29 =	sshra.s32 @!p0 s1, $0x2;
	[tilespmem:s26+$0xE9D0] =	vst v1  }
0x63: {  	[hbm4b:s0+s4] =	stream.linear.scatter [tilespmem:s28], [sflag:$0x5], $0x100, $0x38;
	[tilespmem:$0x12900] =	vst v63  }
0x64: {  	s1 =	simm.s32 @!p0 $0x64;
	s0 =	sadd.s32 @!p0 $0x190, s29;
	s28 =	simm.s32 @!p0 $0x1900  }
0x65: {  	[tilespmem:s28], [sflag:$0x1] =	stream.indirect.gather @!p0 [hbm4b:s2+s1], $0x80, s0, s1, $0xb8;
	[tilespmem:$0x12900] =	vst v63  }
0x66: {  	_ =	swait.ge [sflag:s20], $0x3400  }
0x67: {  	[sflag:s20] =	ssyncset.done $0x0  }
0x68: {  	s30 =	simm.s32 $0x270;
	[sflag:s20] =	ssyncadd.s32 $0xFFFFCC00  }
0x69: {  	v0 =	vld [tilespmem:s30+$0x4D00]  }
0x6a: {  	v1 =	vld [tilespmem:s30+$0x4C90]  }
0x6b: {  	v3 =	vld [tilespmem:s30+$0x4CA0]  }
0x6c: {  	v12 =	vld [tilespmem:s30+$0x4CB0]  }
0x6d: {  	v10 =	vld [tilespmem:s30+$0x4CC0]  }
0x6e: {  	v6 =	vimm.f32 $0.0e+00;
	v2 =	vimm.f32 $0.0e+00;
	v5 =	vld [tilespmem:s30+$0x4CD0]  }
0x6f: {  	v7 =	vimm.f32 $0.0e+00;
	v8 =	vld [tilespmem:s30+$0x4CE0];
	v0 =	vadd.f32 v0, v2;
	v9 =	vadd.f32 v1, v2  }
0x70: {  	s31 =	simm.s32 $0x2F0;
	s0 =	simm.s32 $0xDC0;
	v11 =	vld [tilespmem:s30+$0x4CF0];
	v4 =	vadd.f32 v3, v2;
	v3 =	vimm.f32 $0.0e+00;
	v1 =	vimm.f32 $0.0e+00  }
.LBB2_7:
0x71: {  	p1 =	sne.s32 s0, $0x6BC0;
	v13 =	vld [tilespmem:s31+$0x4D00];
	v2 =	vadd.f32 v12, v2  }
0x72: {  	v14 =	vld [tilespmem:s31+$0x4C90];
	v6 =	vadd.f32 v10, v6  }
0x73: {  	v15 =	vld [tilespmem:s31+$0x4CA0];
	v7 =	vadd.f32 v5, v7  }
.Ltmp4:
0x74: {  	v12 =	vld [tilespmem:s31+$0x4CB0];
	v3 =	vadd.f32 v8, v3;
	(pc) =	sbr.rel @p1 .LBB2_7-.Ltmp4, $4  }
0x75: {  	v10 =	vld [tilespmem:s31+$0x4CC0];
	v1 =	vadd.f32 v11, v1  }
0x76: {  	v5 =	vld [tilespmem:s31+$0x4CD0];
	v0 =	vadd.f32 v13, v0  }
0x77: {  	v9 =	vadd.f32 v14, v9;
	v8 =	vld [tilespmem:s31+$0x4CE0]  }
0x78: {  	v4 =	vadd.f32 v15, v4;
	v11 =	vld [tilespmem:s31+$0x4CF0];
	s31 =	sshra.s32 s0, $0x2;
	s0 =	sadd.s32 $0x200, s0  }
0x79: {  	v14 =	vld [tilespmem:s31+$0x4C90]  }
0x7a: {  	v15 =	vld [tilespmem:s31+$0x4CA0]  }
0x7b: {  	v16 =	vld [tilespmem:s31+$0x4CB0]  }
0x7c: {  	v17 =	vld [tilespmem:s31+$0x4CC0];
	s28 =	sshll.u32 s25, $0x3  }
0x7d: {  	v13 =	vld [tilespmem:s31+$0x4D00];
	v2 =	vadd.f32 v12, v2;
	s30 =	sor.u32 $0x2, s28  }
0x7e: {  	v6 =	vadd.f32 v10, v6;
	v10 =	vld [tilespmem:s31+$0x4CF0];
	s0 =	sshll.u32 s30, $0x7;
	v9 =	vadd.f32 v14, v9  }
0x7f: {  	v18 =	vld [tilespmem:s31+$0x4CD0];
	s0 =	sand.u32 $0x3FFFFD00, s0;
	v4 =	vadd.f32 v15, v4  }
0x80: {  	v12 =	vld [tilespmem:s31+$0x4CE0];
	v2 =	vadd.f32 v16, v2;
	[tilespmem:s0+$0xE900] =	vst v9  }
0x81: {  	v1 =	vadd.f32 v11, v1;
	v6 =	vadd.f32 v17, v6;
	[tilespmem:s0+$0xE910] =	vst v4  }
0x82: {  	v5 =	vadd.f32 v5, v7;
	v0 =	vadd.f32 v13, v0;
	[tilespmem:s0+$0xE920] =	vst v2  }
0x83: {  	v3 =	vadd.f32 v8, v3;
	v1 =	vadd.f32 v10, v1;
	[tilespmem:s0+$0xE930] =	vst v6  }
0x84: {  	v4 =	vadd.f32 v18, v5;
	[tilespmem:s0+$0xE970] =	vst v0  }
0x85: {  	v2 =	vadd.f32 v12, v3;
	[tilespmem:s0+$0xE960] =	vst v1  }
0x86: {  	[tilespmem:s0+$0xE940] =	vst v4  }
0x87: {  	s11 =	simm.s32 $0x0;
	[tilespmem:s0+$0xE950] =	vst v2  }
0x88: {  	v0 =	vld [tilespmem:s11+$0x6870]  }
0x89: {  	v2 =	vld [tilespmem:s11+$0x6800]  }
0x8a: {  	v3 =	vld [tilespmem:s11+$0x6810]  }
0x8b: {  	v11 =	vld [tilespmem:s11+$0x6820]  }
0x8c: {  	v9 =	vld [tilespmem:s11+$0x6830]  }
0x8d: {  	v7 =	vimm.f32 $0.0e+00;
	v1 =	vimm.f32 $0.0e+00;
	v6 =	vld [tilespmem:s11+$0x6840]  }
0x8e: {  	v10 =	vimm.f32 $0.0e+00;
	v5 =	vimm.f32 $0.0e+00;
	v8 =	vld [tilespmem:s11+$0x6850];
	v0 =	vadd.f32 v0, v1  }
0x8f: {  	s1 =	simm.s32 $0x400;
	s31 =	sadd.s32 $0xE900, s0;
	s0 =	simm.s32 $0x80;
	v12 =	vld [tilespmem:s11+$0x6860];
	v4 =	vadd.f32 v2, v1;
	v3 =	vadd.f32 v3, v1;
	v2 =	vimm.f32 $0.0e+00  }
.LBB2_9:
0x90: {  	p1 =	sne.s32 s1, $0x6200;
	v13 =	vld [tilespmem:s0+$0x6870];
	v1 =	vadd.f32 v11, v1  }
0x91: {  	v14 =	vld [tilespmem:s0+$0x6800];
	v5 =	vadd.f32 v9, v5  }
0x92: {  	v15 =	vld [tilespmem:s0+$0x6810];
	v10 =	vadd.f32 v6, v10  }
.Ltmp5:
0x93: {  	v11 =	vld [tilespmem:s0+$0x6820];
	v7 =	vadd.f32 v8, v7;
	(pc) =	sbr.rel @p1 .LBB2_9-.Ltmp5, $4  }
0x94: {  	v9 =	vld [tilespmem:s0+$0x6830];
	v2 =	vadd.f32 v12, v2  }
0x95: {  	v6 =	vld [tilespmem:s0+$0x6840];
	v0 =	vadd.f32 v13, v0  }
0x96: {  	v4 =	vadd.f32 v14, v4;
	v8 =	vld [tilespmem:s0+$0x6850]  }
0x97: {  	v3 =	vadd.f32 v15, v3;
	v12 =	vld [tilespmem:s0+$0x6860];
	s0 =	sshra.s32 s1, $0x2;
	s1 =	sadd.s32 $0x200, s1  }
0x98: {  	v14 =	vld [tilespmem:s0+$0x6800]  }
0x99: {  	v15 =	vld [tilespmem:s0+$0x6810]  }
0x9a: {  	v16 =	vld [tilespmem:s0+$0x6820]  }
0x9b: {  	v17 =	vld [tilespmem:s0+$0x6830]  }
0x9c: {  	v13 =	vld [tilespmem:s0+$0x6870];
	v1 =	vadd.f32 v11, v1  }
0x9d: {  	v5 =	vadd.f32 v9, v5;
	v9 =	vld [tilespmem:s0+$0x6860];
	v4 =	vadd.f32 v14, v4  }
0x9e: {  	v18 =	vld [tilespmem:s0+$0x6840];
	v3 =	vadd.f32 v15, v3  }
0x9f: {  	v11 =	vld [tilespmem:s0+$0x6850];
	v1 =	vadd.f32 v16, v1;
	[tilespmem:s26+$0xEA80] =	vst v4  }
0xa0: {  	v2 =	vadd.f32 v12, v2;
	v5 =	vadd.f32 v17, v5;
	[tilespmem:s26+$0xEA90] =	vst v3  }
0xa1: {  	v6 =	vadd.f32 v6, v10;
	v0 =	vadd.f32 v13, v0;
	[tilespmem:s26+$0xEAA0] =	vst v1  }
0xa2: {  	v2 =	vadd.f32 v9, v2;
	v4 =	vadd.f32 v8, v7;
	[tilespmem:s26+$0xEAB0] =	vst v5  }
0xa3: {  	s11 =	sadd.s32 s6, s30;
	v3 =	vadd.f32 v18, v6;
	[tilespmem:s26+$0xEAF0] =	vst v0  }
0xa4: {  	s0 =	sshll.u32 s11, $0x4;
	[tilespmem:s26+$0xEAE0] =	vst v2;
	v1 =	vadd.f32 v11, v4  }
0xa5: {  	s0 =	sand.u32 $0x1FFFFFA0, s0;
	[tilespmem:s26+$0xEAC0] =	vst v3  }
0xa6: {  	s0 =	sadd.s32 s3, s0;
	[tilespmem:s26+$0xEAD0] =	vst v1  }
0xa7: {  	[hbm4b:s0+s4] =	stream.linear.scatter [tilespmem:s31], [sflag:$0x5], $0x100, $0x38;
	[tilespmem:$0x12900] =	vst v63  }
0xa8: {  	s1 =	simm.s32 @!p0 $0x68;
	s11 =	simm.s32 @!p0 $0x4D00;
	s0 =	sadd.s32 @!p0 $0x1F0, s29  }
0xa9: {  	[tilespmem:s11], [sflag:$0x2] =	stream.indirect.gather @!p0 [hbm4b:s2+s1], $0x80, s0, s1, $0xb8;
	[tilespmem:$0x12900] =	vst v63  }
0xaa: {  	_ =	swait.ge [sflag:s21], $0x3200  }
0xab: {  	[sflag:s21] =	ssyncset.done $0x0  }
0xac: {  	s30 =	simm.s32 $0x0;
	[sflag:s21] =	ssyncadd.s32 $0xFFFFCE00  }
0xad: {  	v0 =	vld [tilespmem:s30+$0x8170]  }
0xae: {  	v1 =	vld [tilespmem:s30+$0x8100]  }
0xaf: {  	v3 =	vld [tilespmem:s30+$0x8110]  }
0xb0: {  	v12 =	vld [tilespmem:s30+$0x8120]  }
0xb1: {  	v10 =	vld [tilespmem:s30+$0x8130]  }
0xb2: {  	v6 =	vimm.f32 $0.0e+00;
	v2 =	vimm.f32 $0.0e+00;
	v5 =	vld [tilespmem:s30+$0x8140]  }
0xb3: {  	v7 =	vimm.f32 $0.0e+00;
	v8 =	vld [tilespmem:s30+$0x8150];
	v0 =	vadd.f32 v0, v2;
	v9 =	vadd.f32 v1, v2  }
0xb4: {  	s31 =	simm.s32 $0x80;
	s0 =	simm.s32 $0x400;
	v11 =	vld [tilespmem:s30+$0x8160];
	v4 =	vadd.f32 v3, v2;
	v3 =	vimm.f32 $0.0e+00;
	v1 =	vimm.f32 $0.0e+00  }
.LBB2_11:
0xb5: {  	p1 =	sne.s32 s0, $0x6200;
	v13 =	vld [tilespmem:s31+$0x8170];
	v2 =	vadd.f32 v12, v2  }
0xb6: {  	v14 =	vld [tilespmem:s31+$0x8100];
	v6 =	vadd.f32 v10, v6  }
0xb7: {  	v15 =	vld [tilespmem:s31+$0x8110];
	v7 =	vadd.f32 v5, v7  }
.Ltmp6:
0xb8: {  	v12 =	vld [tilespmem:s31+$0x8120];
	v3 =	vadd.f32 v8, v3;
	(pc) =	sbr.rel @p1 .LBB2_11-.Ltmp6, $4  }
0xb9: {  	v10 =	vld [tilespmem:s31+$0x8130];
	v1 =	vadd.f32 v11, v1  }
0xba: {  	v5 =	vld [tilespmem:s31+$0x8140];
	v0 =	vadd.f32 v13, v0  }
0xbb: {  	v9 =	vadd.f32 v14, v9;
	v8 =	vld [tilespmem:s31+$0x8150]  }
0xbc: {  	v4 =	vadd.f32 v15, v4;
	v11 =	vld [tilespmem:s31+$0x8160];
	s31 =	sshra.s32 s0, $0x2;
	s0 =	sadd.s32 $0x200, s0  }
0xbd: {  	v14 =	vld [tilespmem:s31+$0x8100]  }
0xbe: {  	v15 =	vld [tilespmem:s31+$0x8110]  }
0xbf: {  	v16 =	vld [tilespmem:s31+$0x8120]  }
0xc0: {  	v17 =	vld [tilespmem:s31+$0x8130]  }
0xc1: {  	v13 =	vld [tilespmem:s31+$0x8170];
	s30 =	sor.u32 $0x4, s28;
	v2 =	vadd.f32 v12, v2  }
0xc2: {  	s0 =	sshll.u32 s30, $0x7;
	v6 =	vadd.f32 v10, v6;
	v10 =	vld [tilespmem:s31+$0x8160];
	v9 =	vadd.f32 v14, v9  }
0xc3: {  	v18 =	vld [tilespmem:s31+$0x8140];
	s0 =	sand.u32 $0x3FFFFF80, s0;
	v4 =	vadd.f32 v15, v4  }
0xc4: {  	v12 =	vld [tilespmem:s31+$0x8150];
	v2 =	vadd.f32 v16, v2;
	[tilespmem:s0+$0xE900] =	vst v9  }
0xc5: {  	v1 =	vadd.f32 v11, v1;
	v6 =	vadd.f32 v17, v6;
	[tilespmem:s0+$0xE910] =	vst v4  }
0xc6: {  	v5 =	vadd.f32 v5, v7;
	v0 =	vadd.f32 v13, v0;
	[tilespmem:s0+$0xE920] =	vst v2  }
0xc7: {  	v3 =	vadd.f32 v8, v3;
	v1 =	vadd.f32 v10, v1;
	[tilespmem:s0+$0xE930] =	vst v6  }
0xc8: {  	v4 =	vadd.f32 v18, v5;
	[tilespmem:s0+$0xE970] =	vst v0  }
0xc9: {  	v2 =	vadd.f32 v12, v3;
	[tilespmem:s0+$0xE960] =	vst v1  }
0xca: {  	[tilespmem:s0+$0xE940] =	vst v4  }
0xcb: {  	s11 =	simm.s32 $0x0;
	[tilespmem:s0+$0xE950] =	vst v2  }
0xcc: {  	v0 =	vld [tilespmem:s11+$0x9A70]  }
0xcd: {  	v2 =	vld [tilespmem:s11+$0x9A00]  }
0xce: {  	v3 =	vld [tilespmem:s11+$0x9A10]  }
0xcf: {  	v11 =	vld [tilespmem:s11+$0x9A20]  }
0xd0: {  	v9 =	vld [tilespmem:s11+$0x9A30]  }
0xd1: {  	v7 =	vimm.f32 $0.0e+00;
	v1 =	vimm.f32 $0.0e+00;
	v6 =	vld [tilespmem:s11+$0x9A40]  }
0xd2: {  	v10 =	vimm.f32 $0.0e+00;
	v5 =	vimm.f32 $0.0e+00;
	v8 =	vld [tilespmem:s11+$0x9A50];
	v0 =	vadd.f32 v0, v1  }
0xd3: {  	s1 =	simm.s32 $0x400;
	s31 =	sadd.s32 $0xE900, s0;
	s0 =	simm.s32 $0x80;
	v12 =	vld [tilespmem:s11+$0x9A60];
	v4 =	vadd.f32 v2, v1;
	v3 =	vadd.f32 v3, v1;
	v2 =	vimm.f32 $0.0e+00  }
.LBB2_13:
0xd4: {  	p1 =	sne.s32 s1, $0x6200;
	v13 =	vld [tilespmem:s0+$0x9A70];
	v1 =	vadd.f32 v11, v1  }
0xd5: {  	v14 =	vld [tilespmem:s0+$0x9A00];
	v5 =	vadd.f32 v9, v5  }
0xd6: {  	v15 =	vld [tilespmem:s0+$0x9A10];
	v10 =	vadd.f32 v6, v10  }
.Ltmp7:
0xd7: {  	v11 =	vld [tilespmem:s0+$0x9A20];
	v7 =	vadd.f32 v8, v7;
	(pc) =	sbr.rel @p1 .LBB2_13-.Ltmp7, $4  }
0xd8: {  	v9 =	vld [tilespmem:s0+$0x9A30];
	v2 =	vadd.f32 v12, v2  }
0xd9: {  	v6 =	vld [tilespmem:s0+$0x9A40];
	v0 =	vadd.f32 v13, v0  }
0xda: {  	v4 =	vadd.f32 v14, v4;
	v8 =	vld [tilespmem:s0+$0x9A50]  }
0xdb: {  	v3 =	vadd.f32 v15, v3;
	v12 =	vld [tilespmem:s0+$0x9A60];
	s0 =	sshra.s32 s1, $0x2;
	s1 =	sadd.s32 $0x200, s1  }
0xdc: {  	v14 =	vld [tilespmem:s0+$0x9A00]  }
0xdd: {  	v15 =	vld [tilespmem:s0+$0x9A10]  }
0xde: {  	v16 =	vld [tilespmem:s0+$0x9A20]  }
0xdf: {  	v17 =	vld [tilespmem:s0+$0x9A30]  }
0xe0: {  	v13 =	vld [tilespmem:s0+$0x9A70];
	v1 =	vadd.f32 v11, v1  }
0xe1: {  	v5 =	vadd.f32 v9, v5;
	v9 =	vld [tilespmem:s0+$0x9A60];
	v4 =	vadd.f32 v14, v4  }
0xe2: {  	v18 =	vld [tilespmem:s0+$0x9A40];
	v3 =	vadd.f32 v15, v3  }
0xe3: {  	v11 =	vld [tilespmem:s0+$0x9A50];
	v1 =	vadd.f32 v16, v1;
	[tilespmem:s26+$0xEB80] =	vst v4  }
0xe4: {  	v2 =	vadd.f32 v12, v2;
	v5 =	vadd.f32 v17, v5;
	[tilespmem:s26+$0xEB90] =	vst v3  }
0xe5: {  	v6 =	vadd.f32 v6, v10;
	v0 =	vadd.f32 v13, v0;
	[tilespmem:s26+$0xEBA0] =	vst v1  }
0xe6: {  	v2 =	vadd.f32 v9, v2;
	v4 =	vadd.f32 v8, v7;
	[tilespmem:s26+$0xEBB0] =	vst v5  }
0xe7: {  	s30 =	sadd.s32 s6, s30;
	v3 =	vadd.f32 v18, v6;
	[tilespmem:s26+$0xEBF0] =	vst v0  }
0xe8: {  	s0 =	sshll.u32 s30, $0x4;
	[tilespmem:s26+$0xEBE0] =	vst v2;
	v1 =	vadd.f32 v11, v4  }
0xe9: {  	s0 =	sand.u32 $0x1FFFFFC0, s0;
	[tilespmem:s26+$0xEBC0] =	vst v3  }
0xea: {  	s0 =	sadd.s32 s3, s0;
	[tilespmem:s26+$0xEBD0] =	vst v1  }
0xeb: {  	[hbm4b:s0+s4] =	stream.linear.scatter [tilespmem:s31], [sflag:$0x5], $0x100, $0x38;
	[tilespmem:$0x12900] =	vst v63  }
0xec: {  	s1 =	simm.s32 @!p0 $0x64;
	s11 =	simm.s32 @!p0 $0x8100;
	s0 =	sadd.s32 @!p0 $0x258, s29  }
0xed: {  	[tilespmem:s11], [sflag:$0x3] =	stream.indirect.gather @!p0 [hbm4b:s2+s1], $0x80, s0, s1, $0xb8;
	[tilespmem:$0x12900] =	vst v63  }
0xee: {  	_ =	swait.ge [sflag:s22], $0x3400  }
0xef: {  	[sflag:s22] =	ssyncset.done $0x0  }
0xf0: {  	s31 =	simm.s32 $0x270;
	[sflag:s22] =	ssyncadd.s32 $0xFFFFCC00  }
0xf1: {  	v0 =	vld [tilespmem:s31+$0xB500]  }
0xf2: {  	v1 =	vld [tilespmem:s31+$0xB490]  }
0xf3: {  	v3 =	vld [tilespmem:s31+$0xB4A0]  }
0xf4: {  	v12 =	vld [tilespmem:s31+$0xB4B0]  }
0xf5: {  	v10 =	vld [tilespmem:s31+$0xB4C0]  }
0xf6: {  	v6 =	vimm.f32 $0.0e+00;
	v2 =	vimm.f32 $0.0e+00;
	v5 =	vld [tilespmem:s31+$0xB4D0]  }
0xf7: {  	v7 =	vimm.f32 $0.0e+00;
	v8 =	vld [tilespmem:s31+$0xB4E0];
	v0 =	vadd.f32 v0, v2;
	v9 =	vadd.f32 v1, v2  }
0xf8: {  	s29 =	simm.s32 $0x2F0;
	s0 =	simm.s32 $0xDC0;
	v11 =	vld [tilespmem:s31+$0xB4F0];
	v4 =	vadd.f32 v3, v2;
	v3 =	vimm.f32 $0.0e+00;
	v1 =	vimm.f32 $0.0e+00  }
.LBB2_15:
0xf9: {  	p1 =	sne.s32 s0, $0x6BC0;
	v13 =	vld [tilespmem:s29+$0xB500];
	v2 =	vadd.f32 v12, v2  }
0xfa: {  	v14 =	vld [tilespmem:s29+$0xB490];
	v6 =	vadd.f32 v10, v6  }
0xfb: {  	v15 =	vld [tilespmem:s29+$0xB4A0];
	v7 =	vadd.f32 v5, v7  }
.Ltmp8:
0xfc: {  	v12 =	vld [tilespmem:s29+$0xB4B0];
	v3 =	vadd.f32 v8, v3;
	(pc) =	sbr.rel @p1 .LBB2_15-.Ltmp8, $4  }
0xfd: {  	v10 =	vld [tilespmem:s29+$0xB4C0];
	v1 =	vadd.f32 v11, v1  }
0xfe: {  	v5 =	vld [tilespmem:s29+$0xB4D0];
	v0 =	vadd.f32 v13, v0  }
0xff: {  	v9 =	vadd.f32 v14, v9;
	v8 =	vld [tilespmem:s29+$0xB4E0]  }
0x100: {  	v4 =	vadd.f32 v15, v4;
	v11 =	vld [tilespmem:s29+$0xB4F0];
	s29 =	sshra.s32 s0, $0x2;
	s0 =	sadd.s32 $0x200, s0  }
0x101: {  	v14 =	vld [tilespmem:s29+$0xB490]  }
0x102: {  	v15 =	vld [tilespmem:s29+$0xB4A0]  }
0x103: {  	v16 =	vld [tilespmem:s29+$0xB4B0]  }
0x104: {  	v17 =	vld [tilespmem:s29+$0xB4C0]  }
0x105: {  	v13 =	vld [tilespmem:s29+$0xB500];
	s28 =	sor.u32 $0x6, s28;
	v2 =	vadd.f32 v12, v2  }
0x106: {  	s0 =	sshll.u32 s28, $0x7;
	v6 =	vadd.f32 v10, v6;
	v10 =	vld [tilespmem:s29+$0xB4F0];
	v9 =	vadd.f32 v14, v9  }
0x107: {  	v18 =	vld [tilespmem:s29+$0xB4D0];
	s0 =	sand.u32 $0x3FFFFF80, s0;
	v4 =	vadd.f32 v15, v4  }
0x108: {  	v12 =	vld [tilespmem:s29+$0xB4E0];
	v2 =	vadd.f32 v16, v2;
	[tilespmem:s0+$0xE900] =	vst v9  }
0x109: {  	v1 =	vadd.f32 v11, v1;
	v6 =	vadd.f32 v17, v6;
	[tilespmem:s0+$0xE910] =	vst v4  }
0x10a: {  	v5 =	vadd.f32 v5, v7;
	v0 =	vadd.f32 v13, v0;
	[tilespmem:s0+$0xE920] =	vst v2  }
0x10b: {  	v3 =	vadd.f32 v8, v3;
	v1 =	vadd.f32 v10, v1;
	[tilespmem:s0+$0xE930] =	vst v6  }
0x10c: {  	v4 =	vadd.f32 v18, v5;
	[tilespmem:s0+$0xE970] =	vst v0  }
0x10d: {  	v2 =	vadd.f32 v12, v3;
	[tilespmem:s0+$0xE960] =	vst v1  }
0x10e: {  	[tilespmem:s0+$0xE940] =	vst v4  }
0x10f: {  	s11 =	simm.s32 $0x0;
	[tilespmem:s0+$0xE950] =	vst v2  }
0x110: {  	v0 =	vld [tilespmem:s11+$0xD070]  }
0x111: {  	v2 =	vld [tilespmem:s11+$0xD000]  }
0x112: {  	v3 =	vld [tilespmem:s11+$0xD010]  }
0x113: {  	v11 =	vld [tilespmem:s11+$0xD020]  }
0x114: {  	v9 =	vld [tilespmem:s11+$0xD030]  }
0x115: {  	v7 =	vimm.f32 $0.0e+00;
	v1 =	vimm.f32 $0.0e+00;
	v6 =	vld [tilespmem:s11+$0xD040]  }
0x116: {  	v10 =	vimm.f32 $0.0e+00;
	v5 =	vimm.f32 $0.0e+00;
	v8 =	vld [tilespmem:s11+$0xD050];
	v0 =	vadd.f32 v0, v1  }
0x117: {  	s1 =	simm.s32 $0x400;
	s29 =	sadd.s32 $0xE900, s0;
	s0 =	simm.s32 $0x80;
	v12 =	vld [tilespmem:s11+$0xD060];
	v4 =	vadd.f32 v2, v1;
	v3 =	vadd.f32 v3, v1;
	v2 =	vimm.f32 $0.0e+00  }
.LBB2_17:
0x118: {  	p1 =	sne.s32 s1, $0x6200;
	v13 =	vld [tilespmem:s0+$0xD070];
	v1 =	vadd.f32 v11, v1  }
0x119: {  	v14 =	vld [tilespmem:s0+$0xD000];
	v5 =	vadd.f32 v9, v5  }
0x11a: {  	v15 =	vld [tilespmem:s0+$0xD010];
	v10 =	vadd.f32 v6, v10  }
.Ltmp9:
0x11b: {  	v11 =	vld [tilespmem:s0+$0xD020];
	v7 =	vadd.f32 v8, v7;
	(pc) =	sbr.rel @p1 .LBB2_17-.Ltmp9, $4  }
0x11c: {  	v9 =	vld [tilespmem:s0+$0xD030];
	v2 =	vadd.f32 v12, v2  }
0x11d: {  	v6 =	vld [tilespmem:s0+$0xD040];
	v0 =	vadd.f32 v13, v0  }
0x11e: {  	v4 =	vadd.f32 v14, v4;
	v8 =	vld [tilespmem:s0+$0xD050]  }
0x11f: {  	v3 =	vadd.f32 v15, v3;
	v12 =	vld [tilespmem:s0+$0xD060];
	s0 =	sshra.s32 s1, $0x2;
	s1 =	sadd.s32 $0x200, s1  }
0x120: {  	v14 =	vld [tilespmem:s0+$0xD000]  }
0x121: {  	v15 =	vld [tilespmem:s0+$0xD010]  }
0x122: {  	v16 =	vld [tilespmem:s0+$0xD020]  }
0x123: {  	v17 =	vld [tilespmem:s0+$0xD030]  }
0x124: {  	v18 =	vld [tilespmem:s0+$0xD040]  }
0x125: {  	v1 =	vadd.f32 v11, v1;
	v59 =	vld [tilespmem:s0+$0xD050];
	v4 =	vadd.f32 v14, v4  }
0x126: {  	v13 =	vld [tilespmem:s0+$0xD070];
	v5 =	vadd.f32 v9, v5;
	v3 =	vadd.f32 v15, v3  }
0x127: {  	v60 =	vld [tilespmem:s0+$0xD060];
	v6 =	vadd.f32 v6, v10;
	v1 =	vadd.f32 v16, v1;
	[tilespmem:s26+$0xEC80] =	vst v4  }
0x128: {  	v61 =	vadd.f32 v8, v7;
	v5 =	vadd.f32 v17, v5;
	[tilespmem:s26+$0xEC90] =	vst v3  }
0x129: {  	v62 =	vadd.f32 v18, v6;
	[tilespmem:s26+$0xECA0] =	vst v1  }
0x12a: {  	v2 =	vadd.f32 v12, v2;
	v63 =	vadd.f32 v59, v61;
	[tilespmem:s26+$0xECB0] =	vst v5  }
.Ltmp10:
0x12b: {  	s31 =	sadd.s32 s6, s28;
	v0 =	vadd.f32 v13, v0;
	[tilespmem:s26+$0xECC0] =	vst v62;
	(pc) =	sbr.rel @p0 .LBB2_20-.Ltmp10, $4  }
0x12c: {  	s0 =	sshll.u32 s31, $0x4;
	v2 =	vadd.f32 v60, v2;
	[tilespmem:s26+$0xECD0] =	vst v63  }
0x12d: {  	s0 =	sand.u32 $0x1FFFFFE0, s0;
	[tilespmem:s26+$0xECF0] =	vst v0  }
0x12e: {  	s0 =	sadd.s32 s3, s0;
	[tilespmem:s26+$0xECE0] =	vst v2  }
0x12f: {  	[hbm4b:s0+s4] =	stream.linear.scatter [tilespmem:s29], [sflag:$0x5], $0x100, $0x38;
	[tilespmem:$0x12900] =	vst v63  }
0x130: {  	s0 =	smul.u32 $0x640, s25  }
.Ltmp11:
0x131: {  	_ = 	snop;
	(pc) =	sbr.rel .LBB2_2-.Ltmp11, $4  }
0x132: {  	_ = 	snop  }
0x133: {  	s0 =	sshra.s32 s0, $0x2  }
0x134: {  	s25 =	sadd.s32 $0x1, s25;
	s0 =	sadd.s32 $0x2B8, s0  }
0x135: {  	[tilespmem:s18], [sflag:$0x4] =	stream.indirect.gather [hbm4b:s2+s12], $0x80, s0, s12, $0xb8;
	[tilespmem:$0x12900] =	vst v63  }
.LBB2_21:
0x136: {  	_ =	sfence.sel $0x180000  }
0x137: {  	[bflag:$0x0] =	sbarrier.arrive $0xFFFF  }
0x138: {  	_ =	strace $0x90000047  }
0x139: {  	s0 =	stileid.u32;
	[bflag:$0x2] =	sbarrier.arrive $0xFFFF  }
0x13a: {  	p0 =	sne.s32 s0, $0x0;
	s0 =	rddreg [dreg:$0x3]  }
0x13b: {  	s0 =	sadd.s32 @!p0 $0x100000, s0  }
0x13c: {  	[sflag:s0] =	ssyncadd.tile.s32 @!p0 $0x1;
	_ =	shalt  }
.Lfunc_end2:
_tile_overlayer_lowered:
.L_overlay_start_2:
0x13d: {  	(tag) =	ssettag $0x2  }
0x13e: {  	s0 =	rddreg [dreg:$0x0];
	s2 =	stileid.u32  }
0x13f: {  	s1 =	rddreg [dreg:$0x1];
	p0 =	sne.s32 s2, $0x0  }
0x140: {  	s3 =	rddreg [dreg:$0x2];
	[bflag:$0x3] =	sbarrier.arrive $0xFFFF;
	s2 =	simm.s32 @!p0 $0x1C06  }
0x141: {  	[timem:s3], [sflag:s2] =	dma.local @!p0 [hbm:s0], s1  }
0x142: {  	s0 =	simm.s32 @!p0 $0x6  }
0x143: {  	_ =	swait.ge @!p0 [sflag:s0], s1  }
0x144: {  	s1 =	ssub.s32 @!p0 $0x0, s1;
	[sflag:s0] =	ssyncset.done @!p0 $0x0  }
0x145: {  	[sflag:s0] =	ssyncadd.s32 @!p0 s1  }
0x146: {  	[bflag:$0x3] =	sbarrier.arrive $0xFFFF  }
0x147: {  	_ =	shalt  }

</sc_bundles>
